<compile_context>
chip_gen: v7x
topology: tpu7x:2x2x1
jax: 0.10.2.dev20260603
libtpu: 0.0.44.dev20260713+nightly
codegen_flags: <defaults>
</compile_context>

<pallas_src>
import functools

import jax
import jax.numpy as jnp
from jax import lax
from jax.experimental import pallas as pl
from jax.experimental.pallas import tpu as pltpu
from jax.experimental.pallas import tpu_sc as plsc

_EMB = 64
_NTAGS = 5
_LANES = 16
_NC = 2
_NS = 16
_NW = _NC * _NS
_L = 16384
_PER_TILE = _L // _NW
_CHUNK = 128
_NCHUNK = _PER_TILE // _CHUNK
_NGRP = _EMB // _LANES


def _body(words_hbm, table_hbm, w_hbm, bias_hbm, out_hbm,
          idx_v, rows_v, acc_v, w_v, bias_v, out_v, shared, sem):
    cid = lax.axis_index("c")
    sid = lax.axis_index("s")
    tid = cid * _NS + sid
    base = tid * _PER_TILE

    pltpu.sync_copy(words_hbm.at[pl.ds(base, _PER_TILE)], idx_v)
    copies = []
    for j in range(_NCHUNK):
        copies.append(pltpu.async_copy(
            table_hbm.at[idx_v.at[pl.ds(j * _CHUNK, _CHUNK)]],
            rows_v.at[pl.ds(j * _CHUNK, _CHUNK)],
            sem))
    for c in copies:
        c.wait()

    z = jnp.zeros((_LANES,), jnp.float32)

    def _acc(i, carry):
        return tuple(carry[g] + rows_v[i, pl.ds(g * _LANES, _LANES)]
                     for g in range(_NGRP))

    acc = lax.fori_loop(0, _PER_TILE, _acc, (z,) * _NGRP)
    for g in range(_NGRP):
        acc_v[pl.ds(g * _LANES, _LANES)] = acc[g]

    pltpu.sync_copy(acc_v, shared.at[sid])
    plsc.subcore_barrier()

    @pl.when(sid == 0)
    def _finalize():
        pltpu.sync_copy(shared, rows_v.at[pl.ds(0, _NS)])
        pltpu.sync_copy(w_hbm, w_v)
        pltpu.sync_copy(bias_hbm, bias_v)
        s = lax.fori_loop(0, _NS, _acc, (z,) * _NGRP)
        outv = bias_v[...] * (1.0 - cid.astype(jnp.float32))
        for g in range(_NGRP):
            for l in range(_LANES):
                outv = outv + s[g][l] * w_v[g * _LANES + l, :]
        out_v[...] = outv
        pltpu.sync_copy(out_v, out_hbm.at[cid])


_sc_cbow = functools.partial(
    pl.kernel,
    mesh=plsc.VectorSubcoreMesh(core_axis_name="c", subcore_axis_name="s"),
    out_type=jax.ShapeDtypeStruct((_NC, _LANES), jnp.float32),
    compiler_params=pltpu.CompilerParams(use_tc_tiling_on_sc=False),
    scratch_types=[
        pltpu.VMEM((_PER_TILE,), jnp.int32),
        pltpu.VMEM((_PER_TILE, _EMB), jnp.float32),
        pltpu.VMEM((_EMB,), jnp.float32),
        pltpu.VMEM((_EMB, _LANES), jnp.float32),
        pltpu.VMEM((_LANES,), jnp.float32),
        pltpu.VMEM((_LANES,), jnp.float32),
        pltpu.VMEM_SHARED((_NS, _EMB), jnp.float32),
        pltpu.SemaphoreType.DMA,
    ],
)(_body)


def kernel(words, emb_weight, lin_weight, lin_bias):
    words = words.astype(jnp.int32)
    wt_pad = jnp.zeros((_EMB, _LANES), jnp.float32).at[:, :_NTAGS].set(
        lin_weight.astype(jnp.float32).T)
    bias_pad = jnp.zeros((_LANES,), jnp.float32).at[:_NTAGS].set(
        lin_bias.astype(jnp.float32))
    res = _sc_cbow(words, emb_weight, wt_pad, bias_pad)
    return (res[0] + res[1])[:_NTAGS].reshape(1, _NTAGS)

# --- scband reference (transcript-rebuilt; emitter-appended) ---
"""Pipeline reference for scband-cbow-53274774339682 (READ-ONLY COPY).

The authoritative reference and input builder live on the scoring server;
editing this copy changes nothing except your own understanding.
"""

import jax, jax.numpy as jnp
import numpy as np

NWORDS = 1000000
NTAGS = 5
EMB = 64
L = 16384

def setup_inputs(seed: int = 0) -> dict:
    key = jax.random.key(seed)
    k1, k2, k3, k4 = jax.random.split(key, 4)
    words = jax.random.randint(k1, (L,), 0, NWORDS, dtype=jnp.int64 if jax.config.jax_enable_x64 else jnp.int32)
    # xavier_uniform for embedding [NWORDS, EMB]: bound = sqrt(6/(fan_in+fan_out))
    b_emb = float(np.sqrt(6.0 / (NWORDS + EMB)))
    emb_weight = jax.random.uniform(k2, (NWORDS, EMB), minval=-b_emb, maxval=b_emb, dtype=jnp.float32)
    b_lin = float(np.sqrt(6.0 / (EMB + NTAGS)))
    lin_weight = jax.random.uniform(k3, (NTAGS, EMB), minval=-b_lin, maxval=b_lin, dtype=jnp.float32)
    lin_bias = jax.random.uniform(k4, (NTAGS,), minval=-1.0/np.sqrt(EMB), maxval=1.0/np.sqrt(EMB), dtype=jnp.float32)
    return {"words": words, "emb_weight": emb_weight, "lin_weight": lin_weight, "lin_bias": lin_bias}

def reference(words, emb_weight, lin_weight, lin_bias):
    emd = jnp.take(emb_weight, words, axis=0)          # [L, EMB] gather
    emb_sum = jnp.sum(emd, axis=0)                      # [EMB]
    emd_sum = emb_sum.reshape(1, -1)                    # [1, EMB]
    out = emd_sum @ lin_weight.T + lin_bias             # [1, NTAGS]
    return out

if __name__ == "__main__":
    import jax
    _d = setup_inputs()
    print(jax.jit(kernel)(*tuple(_d.values())))

</pallas_src>

<mosaic_0001>
#map = affine_map<(d0, d1) -> (0)>
#map1 = affine_map<(d0, d1) -> (0, 0)>
module attributes {stable_mosaic.version = 14 : i64} {
  func.func @_body(%arg0: i32, %arg1: i32, %arg2: memref<16384xi32, #tpu.memory_space<hbm>>, %arg3: memref<1000000x64xf32, #tpu.memory_space<hbm>>, %arg4: memref<64x16xf32, #tpu.memory_space<hbm>>, %arg5: memref<16xf32, #tpu.memory_space<hbm>>, %arg6: memref<2x16xf32, #tpu.memory_space<hbm>>, %arg7: memref<512xi32, #tpu.memory_space<vmem>>, %arg8: memref<512x64xf32, #tpu.memory_space<vmem>>, %arg9: memref<64xf32, #tpu.memory_space<vmem>>, %arg10: memref<64x16xf32, #tpu.memory_space<vmem>>, %arg11: memref<16xf32, #tpu.memory_space<vmem>>, %arg12: memref<16xf32, #tpu.memory_space<vmem>>, %arg13: memref<16x64xf32, #tpu.memory_space<vmem_shared>>, %arg14: memref<!tpu.dma_semaphore, #tpu.memory_space<semaphore_mem>>) attributes {dimension_semantics = [#tpu.dimension_semantics<core_parallel>, #tpu.dimension_semantics<subcore_parallel>], iteration_bounds = array<i64: 2, 16>, scalar_prefetch = 0 : i64, scratch_operands = 8 : i64, tpu.core_type = #tpu.core_type<sc_vector_subcore>, window_params = [{transform_indices = #map}, {transform_indices = #map1}, {transform_indices = #map1}, {transform_indices = #map}, {transform_indices = #map1}]} {
    %mul3A = arith.constant 16 : i32
    %mul3A_0 = arith.muli %arg0, %mul3A : i32
    %add3A = arith.addi %mul3A_0, %arg1 : i32
    %mul3A_1 = arith.constant 512 : i32
    %mul3A_2 = arith.muli %add3A, %mul3A_1 : i32
    "tpu.region"() ({
      %run_scoped3A = tpu.sem_alloc : memref<!tpu.dma_semaphore, #tpu.memory_space<semaphore_mem>>
      %dma_start3A_88 = tpu.memref_slice %arg2[%mul3A_2] : memref<16384xi32, #tpu.memory_space<hbm>> -> memref<512xi32, #tpu.memory_space<hbm>>
      %dma_start3A_89 = tpu.memref_slice %arg2[%mul3A_2] : memref<16384xi32, #tpu.memory_space<hbm>> -> memref<512xi32, #tpu.memory_space<hbm>>
      tpu.enqueue_dma source(%dma_start3A_89 : memref<512xi32, #tpu.memory_space<hbm>>) target(%arg7 : memref<512xi32, #tpu.memory_space<vmem>>) target_semaphore(%run_scoped3A : memref<!tpu.dma_semaphore, #tpu.memory_space<semaphore_mem>>)
      %dma_wait3A_90 = tpu.memref_slice %arg2[%mul3A_2] : memref<16384xi32, #tpu.memory_space<hbm>> -> memref<512xi32, #tpu.memory_space<hbm>>
      %dma_wait3A_91 = tpu.memref_slice %arg2[%mul3A_2] : memref<16384xi32, #tpu.memory_space<hbm>> -> memref<512xi32, #tpu.memory_space<hbm>>
      tpu.wait_dma2 semaphore(%run_scoped3A : memref<!tpu.dma_semaphore, #tpu.memory_space<semaphore_mem>>) src(%dma_wait3A_91 : memref<512xi32, #tpu.memory_space<hbm>>) dst(%arg7 : memref<512xi32, #tpu.memory_space<vmem>>)
      tpu.yield
    }) : () -> ()
    %dma_start3A = arith.constant 0 : i32
    %dma_start3A_3 = arith.constant 0 : i32
    %dma_start3A_4 = tpu.memref_slice %arg8[%dma_start3A, %dma_start3A_3] : memref<512x64xf32, #tpu.memory_space<vmem>> -> memref<128x64xf32, #tpu.memory_space<vmem>>
    %dma_start3A_5 = arith.constant 0 : i32
    %dma_start3A_6 = tpu.memref_slice %arg7[%dma_start3A_5] : memref<512xi32, #tpu.memory_space<vmem>> -> memref<128xi32, #tpu.memory_space<vmem>>
    %dma_start3A_7 = arith.constant 0 : i32
    %dma_start3A_8 = arith.constant 0 : i32
    %dma_start3A_9 = tpu.memref_slice %arg3[%dma_start3A_7, %dma_start3A_8] : memref<1000000x64xf32, #tpu.memory_space<hbm>> -> memref<1000000x64xf32, #tpu.memory_space<hbm>>
    tpu.enqueue_indirect_dma source(%dma_start3A_9 : memref<1000000x64xf32, #tpu.memory_space<hbm>>) target(%dma_start3A_4 : memref<128x64xf32, #tpu.memory_space<vmem>>) offsets(%dma_start3A_6 : memref<128xi32, #tpu.memory_space<vmem>>) semaphore(%arg14 : memref<!tpu.dma_semaphore, #tpu.memory_space<semaphore_mem>>)
    %dma_start3A_10 = arith.constant 128 : i32
    %dma_start3A_11 = arith.constant 0 : i32
    %dma_start3A_12 = tpu.memref_slice %arg8[%dma_start3A_10, %dma_start3A_11] : memref<512x64xf32, #tpu.memory_space<vmem>> -> memref<128x64xf32, #tpu.memory_space<vmem>>
    %dma_start3A_13 = arith.constant 128 : i32
    %dma_start3A_14 = tpu.memref_slice %arg7[%dma_start3A_13] : memref<512xi32, #tpu.memory_space<vmem>> -> memref<128xi32, #tpu.memory_space<vmem>>
    %dma_start3A_15 = arith.constant 0 : i32
    %dma_start3A_16 = arith.constant 0 : i32
    %dma_start3A_17 = tpu.memref_slice %arg3[%dma_start3A_15, %dma_start3A_16] : memref<1000000x64xf32, #tpu.memory_space<hbm>> -> memref<1000000x64xf32, #tpu.memory_space<hbm>>
    tpu.enqueue_indirect_dma source(%dma_start3A_17 : memref<1000000x64xf32, #tpu.memory_space<hbm>>) target(%dma_start3A_12 : memref<128x64xf32, #tpu.memory_space<vmem>>) offsets(%dma_start3A_14 : memref<128xi32, #tpu.memory_space<vmem>>) semaphore(%arg14 : memref<!tpu.dma_semaphore, #tpu.memory_space<semaphore_mem>>)
    %dma_start3A_18 = arith.constant 256 : i32
    %dma_start3A_19 = arith.constant 0 : i32
    %dma_start3A_20 = tpu.memref_slice %arg8[%dma_start3A_18, %dma_start3A_19] : memref<512x64xf32, #tpu.memory_space<vmem>> -> memref<128x64xf32, #tpu.memory_space<vmem>>
    %dma_start3A_21 = arith.constant 256 : i32
    %dma_start3A_22 = tpu.memref_slice %arg7[%dma_start3A_21] : memref<512xi32, #tpu.memory_space<vmem>> -> memref<128xi32, #tpu.memory_space<vmem>>
    %dma_start3A_23 = arith.constant 0 : i32
    %dma_start3A_24 = arith.constant 0 : i32
    %dma_start3A_25 = tpu.memref_slice %arg3[%dma_start3A_23, %dma_start3A_24] : memref<1000000x64xf32, #tpu.memory_space<hbm>> -> memref<1000000x64xf32, #tpu.memory_space<hbm>>
    tpu.enqueue_indirect_dma source(%dma_start3A_25 : memref<1000000x64xf32, #tpu.memory_space<hbm>>) target(%dma_start3A_20 : memref<128x64xf32, #tpu.memory_space<vmem>>) offsets(%dma_start3A_22 : memref<128xi32, #tpu.memory_space<vmem>>) semaphore(%arg14 : memref<!tpu.dma_semaphore, #tpu.memory_space<semaphore_mem>>)
    %dma_start3A_26 = arith.constant 384 : i32
    %dma_start3A_27 = arith.constant 0 : i32
    %dma_start3A_28 = tpu.memref_slice %arg8[%dma_start3A_26, %dma_start3A_27] : memref<512x64xf32, #tpu.memory_space<vmem>> -> memref<128x64xf32, #tpu.memory_space<vmem>>
    %dma_start3A_29 = arith.constant 384 : i32
    %dma_start3A_30 = tpu.memref_slice %arg7[%dma_start3A_29] : memref<512xi32, #tpu.memory_space<vmem>> -> memref<128xi32, #tpu.memory_space<vmem>>
    %dma_start3A_31 = arith.constant 0 : i32
    %dma_start3A_32 = arith.constant 0 : i32
    %dma_start3A_33 = tpu.memref_slice %arg3[%dma_start3A_31, %dma_start3A_32] : memref<1000000x64xf32, #tpu.memory_space<hbm>> -> memref<1000000x64xf32, #tpu.memory_space<hbm>>
    tpu.enqueue_indirect_dma source(%dma_start3A_33 : memref<1000000x64xf32, #tpu.memory_space<hbm>>) target(%dma_start3A_28 : memref<128x64xf32, #tpu.memory_space<vmem>>) offsets(%dma_start3A_30 : memref<128xi32, #tpu.memory_space<vmem>>) semaphore(%arg14 : memref<!tpu.dma_semaphore, #tpu.memory_space<semaphore_mem>>)
    %dma_wait3A = arith.constant 0 : i32
    %dma_wait3A_34 = arith.constant 0 : i32
    %dma_wait3A_35 = tpu.memref_slice %arg8[%dma_wait3A, %dma_wait3A_34] : memref<512x64xf32, #tpu.memory_space<vmem>> -> memref<128x64xf32, #tpu.memory_space<vmem>>
    %dma_wait3A_36 = arith.constant 0 : i32
    %dma_wait3A_37 = tpu.memref_slice %arg7[%dma_wait3A_36] : memref<512xi32, #tpu.memory_space<vmem>> -> memref<128xi32, #tpu.memory_space<vmem>>
    %dma_wait3A_38 = arith.constant 0 : i32
    %dma_wait3A_39 = arith.constant 0 : i32
    %dma_wait3A_40 = tpu.memref_slice %arg3[%dma_wait3A_38, %dma_wait3A_39] : memref<1000000x64xf32, #tpu.memory_space<hbm>> -> memref<1000000x64xf32, #tpu.memory_space<hbm>>
    tpu.wait_indirect_dma semaphore(%arg14 : memref<!tpu.dma_semaphore, #tpu.memory_space<semaphore_mem>>) src(%dma_wait3A_40 : memref<1000000x64xf32, #tpu.memory_space<hbm>>) dst(%dma_wait3A_35 : memref<128x64xf32, #tpu.memory_space<vmem>>)
    %dma_wait3A_41 = arith.constant 128 : i32
    %dma_wait3A_42 = arith.constant 0 : i32
    %dma_wait3A_43 = tpu.memref_slice %arg8[%dma_wait3A_41, %dma_wait3A_42] : memref<512x64xf32, #tpu.memory_space<vmem>> -> memref<128x64xf32, #tpu.memory_space<vmem>>
    %dma_wait3A_44 = arith.constant 128 : i32
    %dma_wait3A_45 = tpu.memref_slice %arg7[%dma_wait3A_44] : memref<512xi32, #tpu.memory_space<vmem>> -> memref<128xi32, #tpu.memory_space<vmem>>
    %dma_wait3A_46 = arith.constant 0 : i32
    %dma_wait3A_47 = arith.constant 0 : i32
    %dma_wait3A_48 = tpu.memref_slice %arg3[%dma_wait3A_46, %dma_wait3A_47] : memref<1000000x64xf32, #tpu.memory_space<hbm>> -> memref<1000000x64xf32, #tpu.memory_space<hbm>>
    tpu.wait_indirect_dma semaphore(%arg14 : memref<!tpu.dma_semaphore, #tpu.memory_space<semaphore_mem>>) src(%dma_wait3A_48 : memref<1000000x64xf32, #tpu.memory_space<hbm>>) dst(%dma_wait3A_43 : memref<128x64xf32, #tpu.memory_space<vmem>>)
    %dma_wait3A_49 = arith.constant 256 : i32
    %dma_wait3A_50 = arith.constant 0 : i32
    %dma_wait3A_51 = tpu.memref_slice %arg8[%dma_wait3A_49, %dma_wait3A_50] : memref<512x64xf32, #tpu.memory_space<vmem>> -> memref<128x64xf32, #tpu.memory_space<vmem>>
    %dma_wait3A_52 = arith.constant 256 : i32
    %dma_wait3A_53 = tpu.memref_slice %arg7[%dma_wait3A_52] : memref<512xi32, #tpu.memory_space<vmem>> -> memref<128xi32, #tpu.memory_space<vmem>>
    %dma_wait3A_54 = arith.constant 0 : i32
    %dma_wait3A_55 = arith.constant 0 : i32
    %dma_wait3A_56 = tpu.memref_slice %arg3[%dma_wait3A_54, %dma_wait3A_55] : memref<1000000x64xf32, #tpu.memory_space<hbm>> -> memref<1000000x64xf32, #tpu.memory_space<hbm>>
    tpu.wait_indirect_dma semaphore(%arg14 : memref<!tpu.dma_semaphore, #tpu.memory_space<semaphore_mem>>) src(%dma_wait3A_56 : memref<1000000x64xf32, #tpu.memory_space<hbm>>) dst(%dma_wait3A_51 : memref<128x64xf32, #tpu.memory_space<vmem>>)
    %dma_wait3A_57 = arith.constant 384 : i32
    %dma_wait3A_58 = arith.constant 0 : i32
    %dma_wait3A_59 = tpu.memref_slice %arg8[%dma_wait3A_57, %dma_wait3A_58] : memref<512x64xf32, #tpu.memory_space<vmem>> -> memref<128x64xf32, #tpu.memory_space<vmem>>
    %dma_wait3A_60 = arith.constant 384 : i32
    %dma_wait3A_61 = tpu.memref_slice %arg7[%dma_wait3A_60] : memref<512xi32, #tpu.memory_space<vmem>> -> memref<128xi32, #tpu.memory_space<vmem>>
    %dma_wait3A_62 = arith.constant 0 : i32
    %dma_wait3A_63 = arith.constant 0 : i32
    %dma_wait3A_64 = tpu.memref_slice %arg3[%dma_wait3A_62, %dma_wait3A_63] : memref<1000000x64xf32, #tpu.memory_space<hbm>> -> memref<1000000x64xf32, #tpu.memory_space<hbm>>
    tpu.wait_indirect_dma semaphore(%arg14 : memref<!tpu.dma_semaphore, #tpu.memory_space<semaphore_mem>>) src(%dma_wait3A_64 : memref<1000000x64xf32, #tpu.memory_space<hbm>>) dst(%dma_wait3A_59 : memref<128x64xf32, #tpu.memory_space<vmem>>)
    %broadcast_in_dim3A = arith.constant 0.000000e+00 : f32
    %broadcast_in_dim3A_65 = vector.broadcast %broadcast_in_dim3A : f32 to vector<16xf32>
    %scan3A = arith.constant 0 : i32
    %scan3A_66 = arith.constant 512 : i32
    %scan3A_67 = arith.addi %scan3A, %scan3A_66 : i32
    %scan3A_68 = arith.constant 1 : i32
    %scan3A_69:4 = scf.for %scan3A_88 = %scan3A to %scan3A_67 step %scan3A_68 iter_args(%scan3A_89 = %broadcast_in_dim3A_65, %scan3A_90 = %broadcast_in_dim3A_65, %scan3A_91 = %broadcast_in_dim3A_65, %scan3A_92 = %broadcast_in_dim3A_65) -> (vector<16xf32>, vector<16xf32>, vector<16xf32>, vector<16xf32>)  : i32 {
      %get3A = arith.index_cast %scan3A_88 : i32 to index
      %get3A_93 = arith.constant 0 : index
      %get3A_94 = tpu.vector_load %arg8[%get3A, %get3A_93] {strides = array<i32>} : memref<512x64xf32, #tpu.memory_space<vmem>>, vector<1x16xf32>,
      %get3A_95 = vector.shape_cast %get3A_94 : vector<1x16xf32> to vector<16xf32>
      %add3A_96 = arith.addf %scan3A_89, %get3A_95 : vector<16xf32>
      %get3A_97 = arith.index_cast %scan3A_88 : i32 to index
      %get3A_98 = arith.constant 16 : index
      %get3A_99 = tpu.vector_load %arg8[%get3A_97, %get3A_98] {strides = array<i32>} : memref<512x64xf32, #tpu.memory_space<vmem>>, vector<1x16xf32>,
      %get3A_100 = vector.shape_cast %get3A_99 : vector<1x16xf32> to vector<16xf32>
      %add3A_101 = arith.addf %scan3A_90, %get3A_100 : vector<16xf32>
      %get3A_102 = arith.index_cast %scan3A_88 : i32 to index
      %get3A_103 = arith.constant 32 : index
      %get3A_104 = tpu.vector_load %arg8[%get3A_102, %get3A_103] {strides = array<i32>} : memref<512x64xf32, #tpu.memory_space<vmem>>, vector<1x16xf32>,
      %get3A_105 = vector.shape_cast %get3A_104 : vector<1x16xf32> to vector<16xf32>
      %add3A_106 = arith.addf %scan3A_91, %get3A_105 : vector<16xf32>
      %get3A_107 = arith.index_cast %scan3A_88 : i32 to index
      %get3A_108 = arith.constant 48 : index
      %get3A_109 = tpu.vector_load %arg8[%get3A_107, %get3A_108] {strides = array<i32>} : memref<512x64xf32, #tpu.memory_space<vmem>>, vector<1x16xf32>,
      %get3A_110 = vector.shape_cast %get3A_109 : vector<1x16xf32> to vector<16xf32>
      %add3A_111 = arith.addf %scan3A_92, %get3A_110 : vector<16xf32>
      scf.yield %add3A_96, %add3A_101, %add3A_106, %add3A_111 : vector<16xf32>, vector<16xf32>, vector<16xf32>, vector<16xf32>
    }
    %scan3A_70 = arith.constant 512 : i32
    %swap3A = arith.constant 0 : index
    %swap3A_71 = tpu.vector_load %arg9[%swap3A] {strides = array<i32>} : memref<64xf32, #tpu.memory_space<vmem>>, vector<16xf32>,
    %swap3A_72 = vector.shape_cast %swap3A_71 : vector<16xf32> to vector<16xf32>
    %swap3A_73 = vector.shape_cast %scan3A_69#0 : vector<16xf32> to vector<16xf32>
    tpu.vector_store %arg9[%swap3A], %swap3A_73 {strides = array<i32>} : memref<64xf32, #tpu.memory_space<vmem>>, vector<16xf32>,
    %swap3A_74 = arith.constant 16 : index
    %swap3A_75 = tpu.vector_load %arg9[%swap3A_74] {strides = array<i32>} : memref<64xf32, #tpu.memory_space<vmem>>, vector<16xf32>,
    %swap3A_76 = vector.shape_cast %swap3A_75 : vector<16xf32> to vector<16xf32>
    %swap3A_77 = vector.shape_cast %scan3A_69#1 : vector<16xf32> to vector<16xf32>
    tpu.vector_store %arg9[%swap3A_74], %swap3A_77 {strides = array<i32>} : memref<64xf32, #tpu.memory_space<vmem>>, vector<16xf32>,
    %swap3A_78 = arith.constant 32 : index
    %swap3A_79 = tpu.vector_load %arg9[%swap3A_78] {strides = array<i32>} : memref<64xf32, #tpu.memory_space<vmem>>, vector<16xf32>,
    %swap3A_80 = vector.shape_cast %swap3A_79 : vector<16xf32> to vector<16xf32>
    %swap3A_81 = vector.shape_cast %scan3A_69#2 : vector<16xf32> to vector<16xf32>
    tpu.vector_store %arg9[%swap3A_78], %swap3A_81 {strides = array<i32>} : memref<64xf32, #tpu.memory_space<vmem>>, vector<16xf32>,
    %swap3A_82 = arith.constant 48 : index
    %swap3A_83 = tpu.vector_load %arg9[%swap3A_82] {strides = array<i32>} : memref<64xf32, #tpu.memory_space<vmem>>, vector<16xf32>,
    %swap3A_84 = vector.shape_cast %swap3A_83 : vector<16xf32> to vector<16xf32>
    %swap3A_85 = vector.shape_cast %scan3A_69#3 : vector<16xf32> to vector<16xf32>
    tpu.vector_store %arg9[%swap3A_82], %swap3A_85 {strides = array<i32>} : memref<64xf32, #tpu.memory_space<vmem>>, vector<16xf32>,
    "tpu.region"() ({
      %run_scoped3A = tpu.sem_alloc : memref<!tpu.dma_semaphore, #tpu.memory_space<semaphore_mem>>
      %dma_start3A_88 = arith.constant 0 : i32
      %dma_start3A_89 = tpu.memref_slice %arg13[%arg1, %dma_start3A_88] : memref<16x64xf32, #tpu.memory_space<vmem_shared>> -> memref<1x64xf32, #tpu.memory_space<vmem_shared>>
      %dma_start3A_90 = tpu.memref_squeeze %dma_start3A_89 : memref<1x64xf32, #tpu.memory_space<vmem_shared>> -> memref<64xf32, #tpu.memory_space<vmem_shared>>
      %dma_start3A_91 = arith.constant 0 : i32
      %dma_start3A_92 = tpu.memref_slice %arg13[%arg1, %dma_start3A_91] : memref<16x64xf32, #tpu.memory_space<vmem_shared>> -> memref<1x64xf32, #tpu.memory_space<vmem_shared>>
      %dma_start3A_93 = tpu.memref_squeeze %dma_start3A_92 : memref<1x64xf32, #tpu.memory_space<vmem_shared>> -> memref<64xf32, #tpu.memory_space<vmem_shared>>
      tpu.enqueue_dma source(%arg9 : memref<64xf32, #tpu.memory_space<vmem>>) target(%dma_start3A_93 : memref<64xf32, #tpu.memory_space<vmem_shared>>) target_semaphore(%run_scoped3A : memref<!tpu.dma_semaphore, #tpu.memory_space<semaphore_mem>>)
      %dma_wait3A_94 = arith.constant 0 : i32
      %dma_wait3A_95 = tpu.memref_slice %arg13[%arg1, %dma_wait3A_94] : memref<16x64xf32, #tpu.memory_space<vmem_shared>> -> memref<1x64xf32, #tpu.memory_space<vmem_shared>>
      %dma_wait3A_96 = tpu.memref_squeeze %dma_wait3A_95 : memref<1x64xf32, #tpu.memory_space<vmem_shared>> -> memref<64xf32, #tpu.memory_space<vmem_shared>>
      %dma_wait3A_97 = arith.constant 0 : i32
      %dma_wait3A_98 = tpu.memref_slice %arg13[%arg1, %dma_wait3A_97] : memref<16x64xf32, #tpu.memory_space<vmem_shared>> -> memref<1x64xf32, #tpu.memory_space<vmem_shared>>
      %dma_wait3A_99 = tpu.memref_squeeze %dma_wait3A_98 : memref<1x64xf32, #tpu.memory_space<vmem_shared>> -> memref<64xf32, #tpu.memory_space<vmem_shared>>
      tpu.wait_dma2 semaphore(%run_scoped3A : memref<!tpu.dma_semaphore, #tpu.memory_space<semaphore_mem>>) src(%arg9 : memref<64xf32, #tpu.memory_space<vmem>>) dst(%dma_wait3A_99 : memref<64xf32, #tpu.memory_space<vmem_shared>>)
      tpu.yield
    }) : () -> ()
    %barrier3A = arith.constant 0 : index
    tpu.barrier barrier_id(%barrier3A)
    %eq3A = arith.constant 0 : i32
    %eq3A_86 = arith.cmpi eq, %arg1, %eq3A : i32
    %convert_element_type3A = arith.extui %eq3A_86 : i1 to i32
    %cond3A = arith.constant 0 : i32
    %cond3A_87 = arith.cmpi ne, %convert_element_type3A, %cond3A : i32
    scf.if %cond3A_87 {
      "tpu.region"() ({
        %run_scoped3A = tpu.sem_alloc : memref<!tpu.dma_semaphore, #tpu.memory_space<semaphore_mem>>
        %dma_start3A_742 = arith.constant 0 : i32
        %dma_start3A_743 = arith.constant 0 : i32
        %dma_start3A_744 = tpu.memref_slice %arg8[%dma_start3A_742, %dma_start3A_743] : memref<512x64xf32, #tpu.memory_space<vmem>> -> memref<16x64xf32, #tpu.memory_space<vmem>>
        %dma_start3A_745 = arith.constant 0 : i32
        %dma_start3A_746 = arith.constant 0 : i32
        %dma_start3A_747 = tpu.memref_slice %arg8[%dma_start3A_745, %dma_start3A_746] : memref<512x64xf32, #tpu.memory_space<vmem>> -> memref<16x64xf32, #tpu.memory_space<vmem>>
        tpu.enqueue_dma source(%arg13 : memref<16x64xf32, #tpu.memory_space<vmem_shared>>) target(%dma_start3A_747 : memref<16x64xf32, #tpu.memory_space<vmem>>) target_semaphore(%run_scoped3A : memref<!tpu.dma_semaphore, #tpu.memory_space<semaphore_mem>>)
        %dma_wait3A_748 = arith.constant 0 : i32
        %dma_wait3A_749 = arith.constant 0 : i32
        %dma_wait3A_750 = tpu.memref_slice %arg8[%dma_wait3A_748, %dma_wait3A_749] : memref<512x64xf32, #tpu.memory_space<vmem>> -> memref<16x64xf32, #tpu.memory_space<vmem>>
        %dma_wait3A_751 = arith.constant 0 : i32
        %dma_wait3A_752 = arith.constant 0 : i32
        %dma_wait3A_753 = tpu.memref_slice %arg8[%dma_wait3A_751, %dma_wait3A_752] : memref<512x64xf32, #tpu.memory_space<vmem>> -> memref<16x64xf32, #tpu.memory_space<vmem>>
        tpu.wait_dma2 semaphore(%run_scoped3A : memref<!tpu.dma_semaphore, #tpu.memory_space<semaphore_mem>>) src(%arg13 : memref<16x64xf32, #tpu.memory_space<vmem_shared>>) dst(%dma_wait3A_753 : memref<16x64xf32, #tpu.memory_space<vmem>>)
        tpu.yield
      }) : () -> ()
      "tpu.region"() ({
        %run_scoped3A = tpu.sem_alloc : memref<!tpu.dma_semaphore, #tpu.memory_space<semaphore_mem>>
        tpu.enqueue_dma source(%arg4 : memref<64x16xf32, #tpu.memory_space<hbm>>) target(%arg10 : memref<64x16xf32, #tpu.memory_space<vmem>>) target_semaphore(%run_scoped3A : memref<!tpu.dma_semaphore, #tpu.memory_space<semaphore_mem>>)
        tpu.wait_dma2 semaphore(%run_scoped3A : memref<!tpu.dma_semaphore, #tpu.memory_space<semaphore_mem>>) src(%arg4 : memref<64x16xf32, #tpu.memory_space<hbm>>) dst(%arg10 : memref<64x16xf32, #tpu.memory_space<vmem>>)
        tpu.yield
      }) : () -> ()
      "tpu.region"() ({
        %run_scoped3A = tpu.sem_alloc : memref<!tpu.dma_semaphore, #tpu.memory_space<semaphore_mem>>
        tpu.enqueue_dma source(%arg5 : memref<16xf32, #tpu.memory_space<hbm>>) target(%arg11 : memref<16xf32, #tpu.memory_space<vmem>>) target_semaphore(%run_scoped3A : memref<!tpu.dma_semaphore, #tpu.memory_space<semaphore_mem>>)
        tpu.wait_dma2 semaphore(%run_scoped3A : memref<!tpu.dma_semaphore, #tpu.memory_space<semaphore_mem>>) src(%arg5 : memref<16xf32, #tpu.memory_space<hbm>>) dst(%arg11 : memref<16xf32, #tpu.memory_space<vmem>>)
        tpu.yield
      }) : () -> ()
      %scan3A_88 = arith.constant 0 : i32
      %scan3A_89 = arith.constant 16 : i32
      %scan3A_90 = arith.addi %scan3A_88, %scan3A_89 : i32
      %scan3A_91 = arith.constant 1 : i32
      %scan3A_92:4 = scf.for %scan3A_742 = %scan3A_88 to %scan3A_90 step %scan3A_91 iter_args(%scan3A_743 = %broadcast_in_dim3A_65, %scan3A_744 = %broadcast_in_dim3A_65, %scan3A_745 = %broadcast_in_dim3A_65, %scan3A_746 = %broadcast_in_dim3A_65) -> (vector<16xf32>, vector<16xf32>, vector<16xf32>, vector<16xf32>)  : i32 {
        %get3A_747 = arith.index_cast %scan3A_742 : i32 to index
        %get3A_748 = arith.constant 0 : index
        %get3A_749 = tpu.vector_load %arg8[%get3A_747, %get3A_748] {strides = array<i32>} : memref<512x64xf32, #tpu.memory_space<vmem>>, vector<1x16xf32>,
        %get3A_750 = vector.shape_cast %get3A_749 : vector<1x16xf32> to vector<16xf32>
        %add3A_751 = arith.addf %scan3A_743, %get3A_750 : vector<16xf32>
        %get3A_752 = arith.index_cast %scan3A_742 : i32 to index
        %get3A_753 = arith.constant 16 : index
        %get3A_754 = tpu.vector_load %arg8[%get3A_752, %get3A_753] {strides = array<i32>} : memref<512x64xf32, #tpu.memory_space<vmem>>, vector<1x16xf32>,
        %get3A_755 = vector.shape_cast %get3A_754 : vector<1x16xf32> to vector<16xf32>
        %add3A_756 = arith.addf %scan3A_744, %get3A_755 : vector<16xf32>
        %get3A_757 = arith.index_cast %scan3A_742 : i32 to index
        %get3A_758 = arith.constant 32 : index
        %get3A_759 = tpu.vector_load %arg8[%get3A_757, %get3A_758] {strides = array<i32>} : memref<512x64xf32, #tpu.memory_space<vmem>>, vector<1x16xf32>,
        %get3A_760 = vector.shape_cast %get3A_759 : vector<1x16xf32> to vector<16xf32>
        %add3A_761 = arith.addf %scan3A_745, %get3A_760 : vector<16xf32>
        %get3A_762 = arith.index_cast %scan3A_742 : i32 to index
        %get3A_763 = arith.constant 48 : index
        %get3A_764 = tpu.vector_load %arg8[%get3A_762, %get3A_763] {strides = array<i32>} : memref<512x64xf32, #tpu.memory_space<vmem>>, vector<1x16xf32>,
        %get3A_765 = vector.shape_cast %get3A_764 : vector<1x16xf32> to vector<16xf32>
        %add3A_766 = arith.addf %scan3A_746, %get3A_765 : vector<16xf32>
        scf.yield %add3A_751, %add3A_756, %add3A_761, %add3A_766 : vector<16xf32>, vector<16xf32>, vector<16xf32>, vector<16xf32>
      }
      %scan3A_93 = arith.constant 16 : i32
      %get3A = arith.constant 0 : index
      %get3A_94 = tpu.vector_load %arg11[%get3A] {strides = array<i32>} : memref<16xf32, #tpu.memory_space<vmem>>, vector<16xf32>,
      %get3A_95 = vector.shape_cast %get3A_94 : vector<16xf32> to vector<16xf32>
      %convert_element_type3A_96 = arith.sitofp %arg0 : i32 to f32
      %sub3A = arith.constant 1.000000e+00 : f32
      %sub3A_97 = arith.subf %sub3A, %convert_element_type3A_96 : f32
      %mul3A_98 = vector.broadcast %sub3A_97 : f32 to vector<16xf32>
      %mul3A_99 = arith.mulf %get3A_95, %mul3A_98 : vector<16xf32>
      %slice3A = vector.extract_strided_slice %scan3A_92#0 {offsets = [0], sizes = [1], strides = [1]} : vector<16xf32> to vector<1xf32>
      %squeeze3A = vector.extract %slice3A[0] : f32 from vector<1xf32>
      %get3A_100 = arith.constant 0 : i32
      %get3A_101 = arith.index_cast %get3A_100 : i32 to index
      %get3A_102 = arith.constant 0 : index
      %get3A_103 = tpu.vector_load %arg10[%get3A_101, %get3A_102] {strides = array<i32>} : memref<64x16xf32, #tpu.memory_space<vmem>>, vector<1x16xf32>,
      %get3A_104 = vector.shape_cast %get3A_103 : vector<1x16xf32> to vector<16xf32>
      %mul3A_105 = vector.broadcast %squeeze3A : f32 to vector<16xf32>
      %mul3A_106 = arith.mulf %mul3A_105, %get3A_104 : vector<16xf32>
      %add3A_107 = arith.addf %mul3A_99, %mul3A_106 : vector<16xf32>
      %slice3A_108 = vector.extract_strided_slice %scan3A_92#0 {offsets = [1], sizes = [1], strides = [1]} : vector<16xf32> to vector<1xf32>
      %squeeze3A_109 = vector.extract %slice3A_108[0] : f32 from vector<1xf32>
      %get3A_110 = arith.constant 1 : i32
      %get3A_111 = arith.index_cast %get3A_110 : i32 to index
      %get3A_112 = arith.constant 0 : index
      %get3A_113 = tpu.vector_load %arg10[%get3A_111, %get3A_112] {strides = array<i32>} : memref<64x16xf32, #tpu.memory_space<vmem>>, vector<1x16xf32>,
      %get3A_114 = vector.shape_cast %get3A_113 : vector<1x16xf32> to vector<16xf32>
      %mul3A_115 = vector.broadcast %squeeze3A_109 : f32 to vector<16xf32>
      %mul3A_116 = arith.mulf %mul3A_115, %get3A_114 : vector<16xf32>
      %add3A_117 = arith.addf %add3A_107, %mul3A_116 : vector<16xf32>
      %slice3A_118 = vector.extract_strided_slice %scan3A_92#0 {offsets = [2], sizes = [1], strides = [1]} : vector<16xf32> to vector<1xf32>
      %squeeze3A_119 = vector.extract %slice3A_118[0] : f32 from vector<1xf32>
      %get3A_120 = arith.constant 2 : i32
      %get3A_121 = arith.index_cast %get3A_120 : i32 to index
      %get3A_122 = arith.constant 0 : index
      %get3A_123 = tpu.vector_load %arg10[%get3A_121, %get3A_122] {strides = array<i32>} : memref<64x16xf32, #tpu.memory_space<vmem>>, vector<1x16xf32>,
      %get3A_124 = vector.shape_cast %get3A_123 : vector<1x16xf32> to vector<16xf32>
      %mul3A_125 = vector.broadcast %squeeze3A_119 : f32 to vector<16xf32>
      %mul3A_126 = arith.mulf %mul3A_125, %get3A_124 : vector<16xf32>
      %add3A_127 = arith.addf %add3A_117, %mul3A_126 : vector<16xf32>
      %slice3A_128 = vector.extract_strided_slice %scan3A_92#0 {offsets = [3], sizes = [1], strides = [1]} : vector<16xf32> to vector<1xf32>
      %squeeze3A_129 = vector.extract %slice3A_128[0] : f32 from vector<1xf32>
      %get3A_130 = arith.constant 3 : i32
      %get3A_131 = arith.index_cast %get3A_130 : i32 to index
      %get3A_132 = arith.constant 0 : index
      %get3A_133 = tpu.vector_load %arg10[%get3A_131, %get3A_132] {strides = array<i32>} : memref<64x16xf32, #tpu.memory_space<vmem>>, vector<1x16xf32>,
      %get3A_134 = vector.shape_cast %get3A_133 : vector<1x16xf32> to vector<16xf32>
      %mul3A_135 = vector.broadcast %squeeze3A_129 : f32 to vector<16xf32>
      %mul3A_136 = arith.mulf %mul3A_135, %get3A_134 : vector<16xf32>
      %add3A_137 = arith.addf %add3A_127, %mul3A_136 : vector<16xf32>
      %slice3A_138 = vector.extract_strided_slice %scan3A_92#0 {offsets = [4], sizes = [1], strides = [1]} : vector<16xf32> to vector<1xf32>
      %squeeze3A_139 = vector.extract %slice3A_138[0] : f32 from vector<1xf32>
      %get3A_140 = arith.constant 4 : i32
      %get3A_141 = arith.index_cast %get3A_140 : i32 to index
      %get3A_142 = arith.constant 0 : index
      %get3A_143 = tpu.vector_load %arg10[%get3A_141, %get3A_142] {strides = array<i32>} : memref<64x16xf32, #tpu.memory_space<vmem>>, vector<1x16xf32>,
      %get3A_144 = vector.shape_cast %get3A_143 : vector<1x16xf32> to vector<16xf32>
      %mul3A_145 = vector.broadcast %squeeze3A_139 : f32 to vector<16xf32>
      %mul3A_146 = arith.mulf %mul3A_145, %get3A_144 : vector<16xf32>
      %add3A_147 = arith.addf %add3A_137, %mul3A_146 : vector<16xf32>
      %slice3A_148 = vector.extract_strided_slice %scan3A_92#0 {offsets = [5], sizes = [1], strides = [1]} : vector<16xf32> to vector<1xf32>
      %squeeze3A_149 = vector.extract %slice3A_148[0] : f32 from vector<1xf32>
      %get3A_150 = arith.constant 5 : i32
      %get3A_151 = arith.index_cast %get3A_150 : i32 to index
      %get3A_152 = arith.constant 0 : index
      %get3A_153 = tpu.vector_load %arg10[%get3A_151, %get3A_152] {strides = array<i32>} : memref<64x16xf32, #tpu.memory_space<vmem>>, vector<1x16xf32>,
      %get3A_154 = vector.shape_cast %get3A_153 : vector<1x16xf32> to vector<16xf32>
      %mul3A_155 = vector.broadcast %squeeze3A_149 : f32 to vector<16xf32>
      %mul3A_156 = arith.mulf %mul3A_155, %get3A_154 : vector<16xf32>
      %add3A_157 = arith.addf %add3A_147, %mul3A_156 : vector<16xf32>
      %slice3A_158 = vector.extract_strided_slice %scan3A_92#0 {offsets = [6], sizes = [1], strides = [1]} : vector<16xf32> to vector<1xf32>
      %squeeze3A_159 = vector.extract %slice3A_158[0] : f32 from vector<1xf32>
      %get3A_160 = arith.constant 6 : i32
      %get3A_161 = arith.index_cast %get3A_160 : i32 to index
      %get3A_162 = arith.constant 0 : index
      %get3A_163 = tpu.vector_load %arg10[%get3A_161, %get3A_162] {strides = array<i32>} : memref<64x16xf32, #tpu.memory_space<vmem>>, vector<1x16xf32>,
      %get3A_164 = vector.shape_cast %get3A_163 : vector<1x16xf32> to vector<16xf32>
      %mul3A_165 = vector.broadcast %squeeze3A_159 : f32 to vector<16xf32>
      %mul3A_166 = arith.mulf %mul3A_165, %get3A_164 : vector<16xf32>
      %add3A_167 = arith.addf %add3A_157, %mul3A_166 : vector<16xf32>
      %slice3A_168 = vector.extract_strided_slice %scan3A_92#0 {offsets = [7], sizes = [1], strides = [1]} : vector<16xf32> to vector<1xf32>
      %squeeze3A_169 = vector.extract %slice3A_168[0] : f32 from vector<1xf32>
      %get3A_170 = arith.constant 7 : i32
      %get3A_171 = arith.index_cast %get3A_170 : i32 to index
      %get3A_172 = arith.constant 0 : index
      %get3A_173 = tpu.vector_load %arg10[%get3A_171, %get3A_172] {strides = array<i32>} : memref<64x16xf32, #tpu.memory_space<vmem>>, vector<1x16xf32>,
      %get3A_174 = vector.shape_cast %get3A_173 : vector<1x16xf32> to vector<16xf32>
      %mul3A_175 = vector.broadcast %squeeze3A_169 : f32 to vector<16xf32>
      %mul3A_176 = arith.mulf %mul3A_175, %get3A_174 : vector<16xf32>
      %add3A_177 = arith.addf %add3A_167, %mul3A_176 : vector<16xf32>
      %slice3A_178 = vector.extract_strided_slice %scan3A_92#0 {offsets = [8], sizes = [1], strides = [1]} : vector<16xf32> to vector<1xf32>
      %squeeze3A_179 = vector.extract %slice3A_178[0] : f32 from vector<1xf32>
      %get3A_180 = arith.constant 8 : i32
      %get3A_181 = arith.index_cast %get3A_180 : i32 to index
      %get3A_182 = arith.constant 0 : index
      %get3A_183 = tpu.vector_load %arg10[%get3A_181, %get3A_182] {strides = array<i32>} : memref<64x16xf32, #tpu.memory_space<vmem>>, vector<1x16xf32>,
      %get3A_184 = vector.shape_cast %get3A_183 : vector<1x16xf32> to vector<16xf32>
      %mul3A_185 = vector.broadcast %squeeze3A_179 : f32 to vector<16xf32>
      %mul3A_186 = arith.mulf %mul3A_185, %get3A_184 : vector<16xf32>
      %add3A_187 = arith.addf %add3A_177, %mul3A_186 : vector<16xf32>
      %slice3A_188 = vector.extract_strided_slice %scan3A_92#0 {offsets = [9], sizes = [1], strides = [1]} : vector<16xf32> to vector<1xf32>
      %squeeze3A_189 = vector.extract %slice3A_188[0] : f32 from vector<1xf32>
      %get3A_190 = arith.constant 9 : i32
      %get3A_191 = arith.index_cast %get3A_190 : i32 to index
      %get3A_192 = arith.constant 0 : index
      %get3A_193 = tpu.vector_load %arg10[%get3A_191, %get3A_192] {strides = array<i32>} : memref<64x16xf32, #tpu.memory_space<vmem>>, vector<1x16xf32>,
      %get3A_194 = vector.shape_cast %get3A_193 : vector<1x16xf32> to vector<16xf32>
      %mul3A_195 = vector.broadcast %squeeze3A_189 : f32 to vector<16xf32>
      %mul3A_196 = arith.mulf %mul3A_195, %get3A_194 : vector<16xf32>
      %add3A_197 = arith.addf %add3A_187, %mul3A_196 : vector<16xf32>
      %slice3A_198 = vector.extract_strided_slice %scan3A_92#0 {offsets = [10], sizes = [1], strides = [1]} : vector<16xf32> to vector<1xf32>
      %squeeze3A_199 = vector.extract %slice3A_198[0] : f32 from vector<1xf32>
      %get3A_200 = arith.constant 10 : i32
      %get3A_201 = arith.index_cast %get3A_200 : i32 to index
      %get3A_202 = arith.constant 0 : index
      %get3A_203 = tpu.vector_load %arg10[%get3A_201, %get3A_202] {strides = array<i32>} : memref<64x16xf32, #tpu.memory_space<vmem>>, vector<1x16xf32>,
      %get3A_204 = vector.shape_cast %get3A_203 : vector<1x16xf32> to vector<16xf32>
      %mul3A_205 = vector.broadcast %squeeze3A_199 : f32 to vector<16xf32>
      %mul3A_206 = arith.mulf %mul3A_205, %get3A_204 : vector<16xf32>
      %add3A_207 = arith.addf %add3A_197, %mul3A_206 : vector<16xf32>
      %slice3A_208 = vector.extract_strided_slice %scan3A_92#0 {offsets = [11], sizes = [1], strides = [1]} : vector<16xf32> to vector<1xf32>
      %squeeze3A_209 = vector.extract %slice3A_208[0] : f32 from vector<1xf32>
      %get3A_210 = arith.constant 11 : i32
      %get3A_211 = arith.index_cast %get3A_210 : i32 to index
      %get3A_212 = arith.constant 0 : index
      %get3A_213 = tpu.vector_load %arg10[%get3A_211, %get3A_212] {strides = array<i32>} : memref<64x16xf32, #tpu.memory_space<vmem>>, vector<1x16xf32>,
      %get3A_214 = vector.shape_cast %get3A_213 : vector<1x16xf32> to vector<16xf32>
      %mul3A_215 = vector.broadcast %squeeze3A_209 : f32 to vector<16xf32>
      %mul3A_216 = arith.mulf %mul3A_215, %get3A_214 : vector<16xf32>
      %add3A_217 = arith.addf %add3A_207, %mul3A_216 : vector<16xf32>
      %slice3A_218 = vector.extract_strided_slice %scan3A_92#0 {offsets = [12], sizes = [1], strides = [1]} : vector<16xf32> to vector<1xf32>
      %squeeze3A_219 = vector.extract %slice3A_218[0] : f32 from vector<1xf32>
      %get3A_220 = arith.constant 12 : i32
      %get3A_221 = arith.index_cast %get3A_220 : i32 to index
      %get3A_222 = arith.constant 0 : index
      %get3A_223 = tpu.vector_load %arg10[%get3A_221, %get3A_222] {strides = array<i32>} : memref<64x16xf32, #tpu.memory_space<vmem>>, vector<1x16xf32>,
      %get3A_224 = vector.shape_cast %get3A_223 : vector<1x16xf32> to vector<16xf32>
      %mul3A_225 = vector.broadcast %squeeze3A_219 : f32 to vector<16xf32>
      %mul3A_226 = arith.mulf %mul3A_225, %get3A_224 : vector<16xf32>
      %add3A_227 = arith.addf %add3A_217, %mul3A_226 : vector<16xf32>
      %slice3A_228 = vector.extract_strided_slice %scan3A_92#0 {offsets = [13], sizes = [1], strides = [1]} : vector<16xf32> to vector<1xf32>
      %squeeze3A_229 = vector.extract %slice3A_228[0] : f32 from vector<1xf32>
      %get3A_230 = arith.constant 13 : i32
      %get3A_231 = arith.index_cast %get3A_230 : i32 to index
      %get3A_232 = arith.constant 0 : index
      %get3A_233 = tpu.vector_load %arg10[%get3A_231, %get3A_232] {strides = array<i32>} : memref<64x16xf32, #tpu.memory_space<vmem>>, vector<1x16xf32>,
      %get3A_234 = vector.shape_cast %get3A_233 : vector<1x16xf32> to vector<16xf32>
      %mul3A_235 = vector.broadcast %squeeze3A_229 : f32 to vector<16xf32>
      %mul3A_236 = arith.mulf %mul3A_235, %get3A_234 : vector<16xf32>
      %add3A_237 = arith.addf %add3A_227, %mul3A_236 : vector<16xf32>
      %slice3A_238 = vector.extract_strided_slice %scan3A_92#0 {offsets = [14], sizes = [1], strides = [1]} : vector<16xf32> to vector<1xf32>
      %squeeze3A_239 = vector.extract %slice3A_238[0] : f32 from vector<1xf32>
      %get3A_240 = arith.constant 14 : i32
      %get3A_241 = arith.index_cast %get3A_240 : i32 to index
      %get3A_242 = arith.constant 0 : index
      %get3A_243 = tpu.vector_load %arg10[%get3A_241, %get3A_242] {strides = array<i32>} : memref<64x16xf32, #tpu.memory_space<vmem>>, vector<1x16xf32>,
      %get3A_244 = vector.shape_cast %get3A_243 : vector<1x16xf32> to vector<16xf32>
      %mul3A_245 = vector.broadcast %squeeze3A_239 : f32 to vector<16xf32>
      %mul3A_246 = arith.mulf %mul3A_245, %get3A_244 : vector<16xf32>
      %add3A_247 = arith.addf %add3A_237, %mul3A_246 : vector<16xf32>
      %slice3A_248 = vector.extract_strided_slice %scan3A_92#0 {offsets = [15], sizes = [1], strides = [1]} : vector<16xf32> to vector<1xf32>
      %squeeze3A_249 = vector.extract %slice3A_248[0] : f32 from vector<1xf32>
      %get3A_250 = arith.constant 15 : i32
      %get3A_251 = arith.index_cast %get3A_250 : i32 to index
      %get3A_252 = arith.constant 0 : index
      %get3A_253 = tpu.vector_load %arg10[%get3A_251, %get3A_252] {strides = array<i32>} : memref<64x16xf32, #tpu.memory_space<vmem>>, vector<1x16xf32>,
      %get3A_254 = vector.shape_cast %get3A_253 : vector<1x16xf32> to vector<16xf32>
      %mul3A_255 = vector.broadcast %squeeze3A_249 : f32 to vector<16xf32>
      %mul3A_256 = arith.mulf %mul3A_255, %get3A_254 : vector<16xf32>
      %add3A_257 = arith.addf %add3A_247, %mul3A_256 : vector<16xf32>
      %slice3A_258 = vector.extract_strided_slice %scan3A_92#1 {offsets = [0], sizes = [1], strides = [1]} : vector<16xf32> to vector<1xf32>
      %squeeze3A_259 = vector.extract %slice3A_258[0] : f32 from vector<1xf32>
      %get3A_260 = arith.constant 16 : i32
      %get3A_261 = arith.index_cast %get3A_260 : i32 to index
      %get3A_262 = arith.constant 0 : index
      %get3A_263 = tpu.vector_load %arg10[%get3A_261, %get3A_262] {strides = array<i32>} : memref<64x16xf32, #tpu.memory_space<vmem>>, vector<1x16xf32>,
      %get3A_264 = vector.shape_cast %get3A_263 : vector<1x16xf32> to vector<16xf32>
      %mul3A_265 = vector.broadcast %squeeze3A_259 : f32 to vector<16xf32>
      %mul3A_266 = arith.mulf %mul3A_265, %get3A_264 : vector<16xf32>
      %add3A_267 = arith.addf %add3A_257, %mul3A_266 : vector<16xf32>
      %slice3A_268 = vector.extract_strided_slice %scan3A_92#1 {offsets = [1], sizes = [1], strides = [1]} : vector<16xf32> to vector<1xf32>
      %squeeze3A_269 = vector.extract %slice3A_268[0] : f32 from vector<1xf32>
      %get3A_270 = arith.constant 17 : i32
      %get3A_271 = arith.index_cast %get3A_270 : i32 to index
      %get3A_272 = arith.constant 0 : index
      %get3A_273 = tpu.vector_load %arg10[%get3A_271, %get3A_272] {strides = array<i32>} : memref<64x16xf32, #tpu.memory_space<vmem>>, vector<1x16xf32>,
      %get3A_274 = vector.shape_cast %get3A_273 : vector<1x16xf32> to vector<16xf32>
      %mul3A_275 = vector.broadcast %squeeze3A_269 : f32 to vector<16xf32>
      %mul3A_276 = arith.mulf %mul3A_275, %get3A_274 : vector<16xf32>
      %add3A_277 = arith.addf %add3A_267, %mul3A_276 : vector<16xf32>
      %slice3A_278 = vector.extract_strided_slice %scan3A_92#1 {offsets = [2], sizes = [1], strides = [1]} : vector<16xf32> to vector<1xf32>
      %squeeze3A_279 = vector.extract %slice3A_278[0] : f32 from vector<1xf32>
      %get3A_280 = arith.constant 18 : i32
      %get3A_281 = arith.index_cast %get3A_280 : i32 to index
      %get3A_282 = arith.constant 0 : index
      %get3A_283 = tpu.vector_load %arg10[%get3A_281, %get3A_282] {strides = array<i32>} : memref<64x16xf32, #tpu.memory_space<vmem>>, vector<1x16xf32>,
      %get3A_284 = vector.shape_cast %get3A_283 : vector<1x16xf32> to vector<16xf32>
      %mul3A_285 = vector.broadcast %squeeze3A_279 : f32 to vector<16xf32>
      %mul3A_286 = arith.mulf %mul3A_285, %get3A_284 : vector<16xf32>
      %add3A_287 = arith.addf %add3A_277, %mul3A_286 : vector<16xf32>
      %slice3A_288 = vector.extract_strided_slice %scan3A_92#1 {offsets = [3], sizes = [1], strides = [1]} : vector<16xf32> to vector<1xf32>
      %squeeze3A_289 = vector.extract %slice3A_288[0] : f32 from vector<1xf32>
      %get3A_290 = arith.constant 19 : i32
      %get3A_291 = arith.index_cast %get3A_290 : i32 to index
      %get3A_292 = arith.constant 0 : index
      %get3A_293 = tpu.vector_load %arg10[%get3A_291, %get3A_292] {strides = array<i32>} : memref<64x16xf32, #tpu.memory_space<vmem>>, vector<1x16xf32>,
      %get3A_294 = vector.shape_cast %get3A_293 : vector<1x16xf32> to vector<16xf32>
      %mul3A_295 = vector.broadcast %squeeze3A_289 : f32 to vector<16xf32>
      %mul3A_296 = arith.mulf %mul3A_295, %get3A_294 : vector<16xf32>
      %add3A_297 = arith.addf %add3A_287, %mul3A_296 : vector<16xf32>
      %slice3A_298 = vector.extract_strided_slice %scan3A_92#1 {offsets = [4], sizes = [1], strides = [1]} : vector<16xf32> to vector<1xf32>
      %squeeze3A_299 = vector.extract %slice3A_298[0] : f32 from vector<1xf32>
      %get3A_300 = arith.constant 20 : i32
      %get3A_301 = arith.index_cast %get3A_300 : i32 to index
      %get3A_302 = arith.constant 0 : index
      %get3A_303 = tpu.vector_load %arg10[%get3A_301, %get3A_302] {strides = array<i32>} : memref<64x16xf32, #tpu.memory_space<vmem>>, vector<1x16xf32>,
      %get3A_304 = vector.shape_cast %get3A_303 : vector<1x16xf32> to vector<16xf32>
      %mul3A_305 = vector.broadcast %squeeze3A_299 : f32 to vector<16xf32>
      %mul3A_306 = arith.mulf %mul3A_305, %get3A_304 : vector<16xf32>
      %add3A_307 = arith.addf %add3A_297, %mul3A_306 : vector<16xf32>
      %slice3A_308 = vector.extract_strided_slice %scan3A_92#1 {offsets = [5], sizes = [1], strides = [1]} : vector<16xf32> to vector<1xf32>
      %squeeze3A_309 = vector.extract %slice3A_308[0] : f32 from vector<1xf32>
      %get3A_310 = arith.constant 21 : i32
      %get3A_311 = arith.index_cast %get3A_310 : i32 to index
      %get3A_312 = arith.constant 0 : index
      %get3A_313 = tpu.vector_load %arg10[%get3A_311, %get3A_312] {strides = array<i32>} : memref<64x16xf32, #tpu.memory_space<vmem>>, vector<1x16xf32>,
      %get3A_314 = vector.shape_cast %get3A_313 : vector<1x16xf32> to vector<16xf32>
      %mul3A_315 = vector.broadcast %squeeze3A_309 : f32 to vector<16xf32>
      %mul3A_316 = arith.mulf %mul3A_315, %get3A_314 : vector<16xf32>
      %add3A_317 = arith.addf %add3A_307, %mul3A_316 : vector<16xf32>
      %slice3A_318 = vector.extract_strided_slice %scan3A_92#1 {offsets = [6], sizes = [1], strides = [1]} : vector<16xf32> to vector<1xf32>
      %squeeze3A_319 = vector.extract %slice3A_318[0] : f32 from vector<1xf32>
      %get3A_320 = arith.constant 22 : i32
      %get3A_321 = arith.index_cast %get3A_320 : i32 to index
      %get3A_322 = arith.constant 0 : index
      %get3A_323 = tpu.vector_load %arg10[%get3A_321, %get3A_322] {strides = array<i32>} : memref<64x16xf32, #tpu.memory_space<vmem>>, vector<1x16xf32>,
      %get3A_324 = vector.shape_cast %get3A_323 : vector<1x16xf32> to vector<16xf32>
      %mul3A_325 = vector.broadcast %squeeze3A_319 : f32 to vector<16xf32>
      %mul3A_326 = arith.mulf %mul3A_325, %get3A_324 : vector<16xf32>
      %add3A_327 = arith.addf %add3A_317, %mul3A_326 : vector<16xf32>
      %slice3A_328 = vector.extract_strided_slice %scan3A_92#1 {offsets = [7], sizes = [1], strides = [1]} : vector<16xf32> to vector<1xf32>
      %squeeze3A_329 = vector.extract %slice3A_328[0] : f32 from vector<1xf32>
      %get3A_330 = arith.constant 23 : i32
      %get3A_331 = arith.index_cast %get3A_330 : i32 to index
      %get3A_332 = arith.constant 0 : index
      %get3A_333 = tpu.vector_load %arg10[%get3A_331, %get3A_332] {strides = array<i32>} : memref<64x16xf32, #tpu.memory_space<vmem>>, vector<1x16xf32>,
      %get3A_334 = vector.shape_cast %get3A_333 : vector<1x16xf32> to vector<16xf32>
      %mul3A_335 = vector.broadcast %squeeze3A_329 : f32 to vector<16xf32>
      %mul3A_336 = arith.mulf %mul3A_335, %get3A_334 : vector<16xf32>
      %add3A_337 = arith.addf %add3A_327, %mul3A_336 : vector<16xf32>
      %slice3A_338 = vector.extract_strided_slice %scan3A_92#1 {offsets = [8], sizes = [1], strides = [1]} : vector<16xf32> to vector<1xf32>
      %squeeze3A_339 = vector.extract %slice3A_338[0] : f32 from vector<1xf32>
      %get3A_340 = arith.constant 24 : i32
      %get3A_341 = arith.index_cast %get3A_340 : i32 to index
      %get3A_342 = arith.constant 0 : index
      %get3A_343 = tpu.vector_load %arg10[%get3A_341, %get3A_342] {strides = array<i32>} : memref<64x16xf32, #tpu.memory_space<vmem>>, vector<1x16xf32>,
      %get3A_344 = vector.shape_cast %get3A_343 : vector<1x16xf32> to vector<16xf32>
      %mul3A_345 = vector.broadcast %squeeze3A_339 : f32 to vector<16xf32>
      %mul3A_346 = arith.mulf %mul3A_345, %get3A_344 : vector<16xf32>
      %add3A_347 = arith.addf %add3A_337, %mul3A_346 : vector<16xf32>
      %slice3A_348 = vector.extract_strided_slice %scan3A_92#1 {offsets = [9], sizes = [1], strides = [1]} : vector<16xf32> to vector<1xf32>
      %squeeze3A_349 = vector.extract %slice3A_348[0] : f32 from vector<1xf32>
      %get3A_350 = arith.constant 25 : i32
      %get3A_351 = arith.index_cast %get3A_350 : i32 to index
      %get3A_352 = arith.constant 0 : index
      %get3A_353 = tpu.vector_load %arg10[%get3A_351, %get3A_352] {strides = array<i32>} : memref<64x16xf32, #tpu.memory_space<vmem>>, vector<1x16xf32>,
      %get3A_354 = vector.shape_cast %get3A_353 : vector<1x16xf32> to vector<16xf32>
      %mul3A_355 = vector.broadcast %squeeze3A_349 : f32 to vector<16xf32>
      %mul3A_356 = arith.mulf %mul3A_355, %get3A_354 : vector<16xf32>
      %add3A_357 = arith.addf %add3A_347, %mul3A_356 : vector<16xf32>
      %slice3A_358 = vector.extract_strided_slice %scan3A_92#1 {offsets = [10], sizes = [1], strides = [1]} : vector<16xf32> to vector<1xf32>
      %squeeze3A_359 = vector.extract %slice3A_358[0] : f32 from vector<1xf32>
      %get3A_360 = arith.constant 26 : i32
      %get3A_361 = arith.index_cast %get3A_360 : i32 to index
      %get3A_362 = arith.constant 0 : index
      %get3A_363 = tpu.vector_load %arg10[%get3A_361, %get3A_362] {strides = array<i32>} : memref<64x16xf32, #tpu.memory_space<vmem>>, vector<1x16xf32>,
      %get3A_364 = vector.shape_cast %get3A_363 : vector<1x16xf32> to vector<16xf32>
      %mul3A_365 = vector.broadcast %squeeze3A_359 : f32 to vector<16xf32>
      %mul3A_366 = arith.mulf %mul3A_365, %get3A_364 : vector<16xf32>
      %add3A_367 = arith.addf %add3A_357, %mul3A_366 : vector<16xf32>
      %slice3A_368 = vector.extract_strided_slice %scan3A_92#1 {offsets = [11], sizes = [1], strides = [1]} : vector<16xf32> to vector<1xf32>
      %squeeze3A_369 = vector.extract %slice3A_368[0] : f32 from vector<1xf32>
      %get3A_370 = arith.constant 27 : i32
      %get3A_371 = arith.index_cast %get3A_370 : i32 to index
      %get3A_372 = arith.constant 0 : index
      %get3A_373 = tpu.vector_load %arg10[%get3A_371, %get3A_372] {strides = array<i32>} : memref<64x16xf32, #tpu.memory_space<vmem>>, vector<1x16xf32>,
      %get3A_374 = vector.shape_cast %get3A_373 : vector<1x16xf32> to vector<16xf32>
      %mul3A_375 = vector.broadcast %squeeze3A_369 : f32 to vector<16xf32>
      %mul3A_376 = arith.mulf %mul3A_375, %get3A_374 : vector<16xf32>
      %add3A_377 = arith.addf %add3A_367, %mul3A_376 : vector<16xf32>
      %slice3A_378 = vector.extract_strided_slice %scan3A_92#1 {offsets = [12], sizes = [1], strides = [1]} : vector<16xf32> to vector<1xf32>
      %squeeze3A_379 = vector.extract %slice3A_378[0] : f32 from vector<1xf32>
      %get3A_380 = arith.constant 28 : i32
      %get3A_381 = arith.index_cast %get3A_380 : i32 to index
      %get3A_382 = arith.constant 0 : index
      %get3A_383 = tpu.vector_load %arg10[%get3A_381, %get3A_382] {strides = array<i32>} : memref<64x16xf32, #tpu.memory_space<vmem>>, vector<1x16xf32>,
      %get3A_384 = vector.shape_cast %get3A_383 : vector<1x16xf32> to vector<16xf32>
      %mul3A_385 = vector.broadcast %squeeze3A_379 : f32 to vector<16xf32>
      %mul3A_386 = arith.mulf %mul3A_385, %get3A_384 : vector<16xf32>
      %add3A_387 = arith.addf %add3A_377, %mul3A_386 : vector<16xf32>
      %slice3A_388 = vector.extract_strided_slice %scan3A_92#1 {offsets = [13], sizes = [1], strides = [1]} : vector<16xf32> to vector<1xf32>
      %squeeze3A_389 = vector.extract %slice3A_388[0] : f32 from vector<1xf32>
      %get3A_390 = arith.constant 29 : i32
      %get3A_391 = arith.index_cast %get3A_390 : i32 to index
      %get3A_392 = arith.constant 0 : index
      %get3A_393 = tpu.vector_load %arg10[%get3A_391, %get3A_392] {strides = array<i32>} : memref<64x16xf32, #tpu.memory_space<vmem>>, vector<1x16xf32>,
      %get3A_394 = vector.shape_cast %get3A_393 : vector<1x16xf32> to vector<16xf32>
      %mul3A_395 = vector.broadcast %squeeze3A_389 : f32 to vector<16xf32>
      %mul3A_396 = arith.mulf %mul3A_395, %get3A_394 : vector<16xf32>
      %add3A_397 = arith.addf %add3A_387, %mul3A_396 : vector<16xf32>
      %slice3A_398 = vector.extract_strided_slice %scan3A_92#1 {offsets = [14], sizes = [1], strides = [1]} : vector<16xf32> to vector<1xf32>
      %squeeze3A_399 = vector.extract %slice3A_398[0] : f32 from vector<1xf32>
      %get3A_400 = arith.constant 30 : i32
      %get3A_401 = arith.index_cast %get3A_400 : i32 to index
      %get3A_402 = arith.constant 0 : index
      %get3A_403 = tpu.vector_load %arg10[%get3A_401, %get3A_402] {strides = array<i32>} : memref<64x16xf32, #tpu.memory_space<vmem>>, vector<1x16xf32>,
      %get3A_404 = vector.shape_cast %get3A_403 : vector<1x16xf32> to vector<16xf32>
      %mul3A_405 = vector.broadcast %squeeze3A_399 : f32 to vector<16xf32>
      %mul3A_406 = arith.mulf %mul3A_405, %get3A_404 : vector<16xf32>
      %add3A_407 = arith.addf %add3A_397, %mul3A_406 : vector<16xf32>
      %slice3A_408 = vector.extract_strided_slice %scan3A_92#1 {offsets = [15], sizes = [1], strides = [1]} : vector<16xf32> to vector<1xf32>
      %squeeze3A_409 = vector.extract %slice3A_408[0] : f32 from vector<1xf32>
      %get3A_410 = arith.constant 31 : i32
      %get3A_411 = arith.index_cast %get3A_410 : i32 to index
      %get3A_412 = arith.constant 0 : index
      %get3A_413 = tpu.vector_load %arg10[%get3A_411, %get3A_412] {strides = array<i32>} : memref<64x16xf32, #tpu.memory_space<vmem>>, vector<1x16xf32>,
      %get3A_414 = vector.shape_cast %get3A_413 : vector<1x16xf32> to vector<16xf32>
      %mul3A_415 = vector.broadcast %squeeze3A_409 : f32 to vector<16xf32>
      %mul3A_416 = arith.mulf %mul3A_415, %get3A_414 : vector<16xf32>
      %add3A_417 = arith.addf %add3A_407, %mul3A_416 : vector<16xf32>
      %slice3A_418 = vector.extract_strided_slice %scan3A_92#2 {offsets = [0], sizes = [1], strides = [1]} : vector<16xf32> to vector<1xf32>
      %squeeze3A_419 = vector.extract %slice3A_418[0] : f32 from vector<1xf32>
      %get3A_420 = arith.constant 32 : i32
      %get3A_421 = arith.index_cast %get3A_420 : i32 to index
      %get3A_422 = arith.constant 0 : index
      %get3A_423 = tpu.vector_load %arg10[%get3A_421, %get3A_422] {strides = array<i32>} : memref<64x16xf32, #tpu.memory_space<vmem>>, vector<1x16xf32>,
      %get3A_424 = vector.shape_cast %get3A_423 : vector<1x16xf32> to vector<16xf32>
      %mul3A_425 = vector.broadcast %squeeze3A_419 : f32 to vector<16xf32>
      %mul3A_426 = arith.mulf %mul3A_425, %get3A_424 : vector<16xf32>
      %add3A_427 = arith.addf %add3A_417, %mul3A_426 : vector<16xf32>
      %slice3A_428 = vector.extract_strided_slice %scan3A_92#2 {offsets = [1], sizes = [1], strides = [1]} : vector<16xf32> to vector<1xf32>
      %squeeze3A_429 = vector.extract %slice3A_428[0] : f32 from vector<1xf32>
      %get3A_430 = arith.constant 33 : i32
      %get3A_431 = arith.index_cast %get3A_430 : i32 to index
      %get3A_432 = arith.constant 0 : index
      %get3A_433 = tpu.vector_load %arg10[%get3A_431, %get3A_432] {strides = array<i32>} : memref<64x16xf32, #tpu.memory_space<vmem>>, vector<1x16xf32>,
      %get3A_434 = vector.shape_cast %get3A_433 : vector<1x16xf32> to vector<16xf32>
      %mul3A_435 = vector.broadcast %squeeze3A_429 : f32 to vector<16xf32>
      %mul3A_436 = arith.mulf %mul3A_435, %get3A_434 : vector<16xf32>
      %add3A_437 = arith.addf %add3A_427, %mul3A_436 : vector<16xf32>
      %slice3A_438 = vector.extract_strided_slice %scan3A_92#2 {offsets = [2], sizes = [1], strides = [1]} : vector<16xf32> to vector<1xf32>
      %squeeze3A_439 = vector.extract %slice3A_438[0] : f32 from vector<1xf32>
      %get3A_440 = arith.constant 34 : i32
      %get3A_441 = arith.index_cast %get3A_440 : i32 to index
      %get3A_442 = arith.constant 0 : index
      %get3A_443 = tpu.vector_load %arg10[%get3A_441, %get3A_442] {strides = array<i32>} : memref<64x16xf32, #tpu.memory_space<vmem>>, vector<1x16xf32>,
      %get3A_444 = vector.shape_cast %get3A_443 : vector<1x16xf32> to vector<16xf32>
      %mul3A_445 = vector.broadcast %squeeze3A_439 : f32 to vector<16xf32>
      %mul3A_446 = arith.mulf %mul3A_445, %get3A_444 : vector<16xf32>
      %add3A_447 = arith.addf %add3A_437, %mul3A_446 : vector<16xf32>
      %slice3A_448 = vector.extract_strided_slice %scan3A_92#2 {offsets = [3], sizes = [1], strides = [1]} : vector<16xf32> to vector<1xf32>
      %squeeze3A_449 = vector.extract %slice3A_448[0] : f32 from vector<1xf32>
      %get3A_450 = arith.constant 35 : i32
      %get3A_451 = arith.index_cast %get3A_450 : i32 to index
      %get3A_452 = arith.constant 0 : index
      %get3A_453 = tpu.vector_load %arg10[%get3A_451, %get3A_452] {strides = array<i32>} : memref<64x16xf32, #tpu.memory_space<vmem>>, vector<1x16xf32>,
      %get3A_454 = vector.shape_cast %get3A_453 : vector<1x16xf32> to vector<16xf32>
      %mul3A_455 = vector.broadcast %squeeze3A_449 : f32 to vector<16xf32>
      %mul3A_456 = arith.mulf %mul3A_455, %get3A_454 : vector<16xf32>
      %add3A_457 = arith.addf %add3A_447, %mul3A_456 : vector<16xf32>
      %slice3A_458 = vector.extract_strided_slice %scan3A_92#2 {offsets = [4], sizes = [1], strides = [1]} : vector<16xf32> to vector<1xf32>
      %squeeze3A_459 = vector.extract %slice3A_458[0] : f32 from vector<1xf32>
      %get3A_460 = arith.constant 36 : i32
      %get3A_461 = arith.index_cast %get3A_460 : i32 to index
      %get3A_462 = arith.constant 0 : index
      %get3A_463 = tpu.vector_load %arg10[%get3A_461, %get3A_462] {strides = array<i32>} : memref<64x16xf32, #tpu.memory_space<vmem>>, vector<1x16xf32>,
      %get3A_464 = vector.shape_cast %get3A_463 : vector<1x16xf32> to vector<16xf32>
      %mul3A_465 = vector.broadcast %squeeze3A_459 : f32 to vector<16xf32>
      %mul3A_466 = arith.mulf %mul3A_465, %get3A_464 : vector<16xf32>
      %add3A_467 = arith.addf %add3A_457, %mul3A_466 : vector<16xf32>
      %slice3A_468 = vector.extract_strided_slice %scan3A_92#2 {offsets = [5], sizes = [1], strides = [1]} : vector<16xf32> to vector<1xf32>
      %squeeze3A_469 = vector.extract %slice3A_468[0] : f32 from vector<1xf32>
      %get3A_470 = arith.constant 37 : i32
      %get3A_471 = arith.index_cast %get3A_470 : i32 to index
      %get3A_472 = arith.constant 0 : index
      %get3A_473 = tpu.vector_load %arg10[%get3A_471, %get3A_472] {strides = array<i32>} : memref<64x16xf32, #tpu.memory_space<vmem>>, vector<1x16xf32>,
      %get3A_474 = vector.shape_cast %get3A_473 : vector<1x16xf32> to vector<16xf32>
      %mul3A_475 = vector.broadcast %squeeze3A_469 : f32 to vector<16xf32>
      %mul3A_476 = arith.mulf %mul3A_475, %get3A_474 : vector<16xf32>
      %add3A_477 = arith.addf %add3A_467, %mul3A_476 : vector<16xf32>
      %slice3A_478 = vector.extract_strided_slice %scan3A_92#2 {offsets = [6], sizes = [1], strides = [1]} : vector<16xf32> to vector<1xf32>
      %squeeze3A_479 = vector.extract %slice3A_478[0] : f32 from vector<1xf32>
      %get3A_480 = arith.constant 38 : i32
      %get3A_481 = arith.index_cast %get3A_480 : i32 to index
      %get3A_482 = arith.constant 0 : index
      %get3A_483 = tpu.vector_load %arg10[%get3A_481, %get3A_482] {strides = array<i32>} : memref<64x16xf32, #tpu.memory_space<vmem>>, vector<1x16xf32>,
      %get3A_484 = vector.shape_cast %get3A_483 : vector<1x16xf32> to vector<16xf32>
      %mul3A_485 = vector.broadcast %squeeze3A_479 : f32 to vector<16xf32>
      %mul3A_486 = arith.mulf %mul3A_485, %get3A_484 : vector<16xf32>
      %add3A_487 = arith.addf %add3A_477, %mul3A_486 : vector<16xf32>
      %slice3A_488 = vector.extract_strided_slice %scan3A_92#2 {offsets = [7], sizes = [1], strides = [1]} : vector<16xf32> to vector<1xf32>
      %squeeze3A_489 = vector.extract %slice3A_488[0] : f32 from vector<1xf32>
      %get3A_490 = arith.constant 39 : i32
      %get3A_491 = arith.index_cast %get3A_490 : i32 to index
      %get3A_492 = arith.constant 0 : index
      %get3A_493 = tpu.vector_load %arg10[%get3A_491, %get3A_492] {strides = array<i32>} : memref<64x16xf32, #tpu.memory_space<vmem>>, vector<1x16xf32>,
      %get3A_494 = vector.shape_cast %get3A_493 : vector<1x16xf32> to vector<16xf32>
      %mul3A_495 = vector.broadcast %squeeze3A_489 : f32 to vector<16xf32>
      %mul3A_496 = arith.mulf %mul3A_495, %get3A_494 : vector<16xf32>
      %add3A_497 = arith.addf %add3A_487, %mul3A_496 : vector<16xf32>
      %slice3A_498 = vector.extract_strided_slice %scan3A_92#2 {offsets = [8], sizes = [1], strides = [1]} : vector<16xf32> to vector<1xf32>
      %squeeze3A_499 = vector.extract %slice3A_498[0] : f32 from vector<1xf32>
      %get3A_500 = arith.constant 40 : i32
      %get3A_501 = arith.index_cast %get3A_500 : i32 to index
      %get3A_502 = arith.constant 0 : index
      %get3A_503 = tpu.vector_load %arg10[%get3A_501, %get3A_502] {strides = array<i32>} : memref<64x16xf32, #tpu.memory_space<vmem>>, vector<1x16xf32>,
      %get3A_504 = vector.shape_cast %get3A_503 : vector<1x16xf32> to vector<16xf32>
      %mul3A_505 = vector.broadcast %squeeze3A_499 : f32 to vector<16xf32>
      %mul3A_506 = arith.mulf %mul3A_505, %get3A_504 : vector<16xf32>
      %add3A_507 = arith.addf %add3A_497, %mul3A_506 : vector<16xf32>
      %slice3A_508 = vector.extract_strided_slice %scan3A_92#2 {offsets = [9], sizes = [1], strides = [1]} : vector<16xf32> to vector<1xf32>
      %squeeze3A_509 = vector.extract %slice3A_508[0] : f32 from vector<1xf32>
      %get3A_510 = arith.constant 41 : i32
      %get3A_511 = arith.index_cast %get3A_510 : i32 to index
      %get3A_512 = arith.constant 0 : index
      %get3A_513 = tpu.vector_load %arg10[%get3A_511, %get3A_512] {strides = array<i32>} : memref<64x16xf32, #tpu.memory_space<vmem>>, vector<1x16xf32>,
      %get3A_514 = vector.shape_cast %get3A_513 : vector<1x16xf32> to vector<16xf32>
      %mul3A_515 = vector.broadcast %squeeze3A_509 : f32 to vector<16xf32>
      %mul3A_516 = arith.mulf %mul3A_515, %get3A_514 : vector<16xf32>
      %add3A_517 = arith.addf %add3A_507, %mul3A_516 : vector<16xf32>
      %slice3A_518 = vector.extract_strided_slice %scan3A_92#2 {offsets = [10], sizes = [1], strides = [1]} : vector<16xf32> to vector<1xf32>
      %squeeze3A_519 = vector.extract %slice3A_518[0] : f32 from vector<1xf32>
      %get3A_520 = arith.constant 42 : i32
      %get3A_521 = arith.index_cast %get3A_520 : i32 to index
      %get3A_522 = arith.constant 0 : index
      %get3A_523 = tpu.vector_load %arg10[%get3A_521, %get3A_522] {strides = array<i32>} : memref<64x16xf32, #tpu.memory_space<vmem>>, vector<1x16xf32>,
      %get3A_524 = vector.shape_cast %get3A_523 : vector<1x16xf32> to vector<16xf32>
      %mul3A_525 = vector.broadcast %squeeze3A_519 : f32 to vector<16xf32>
      %mul3A_526 = arith.mulf %mul3A_525, %get3A_524 : vector<16xf32>
      %add3A_527 = arith.addf %add3A_517, %mul3A_526 : vector<16xf32>
      %slice3A_528 = vector.extract_strided_slice %scan3A_92#2 {offsets = [11], sizes = [1], strides = [1]} : vector<16xf32> to vector<1xf32>
      %squeeze3A_529 = vector.extract %slice3A_528[0] : f32 from vector<1xf32>
      %get3A_530 = arith.constant 43 : i32
      %get3A_531 = arith.index_cast %get3A_530 : i32 to index
      %get3A_532 = arith.constant 0 : index
      %get3A_533 = tpu.vector_load %arg10[%get3A_531, %get3A_532] {strides = array<i32>} : memref<64x16xf32, #tpu.memory_space<vmem>>, vector<1x16xf32>,
      %get3A_534 = vector.shape_cast %get3A_533 : vector<1x16xf32> to vector<16xf32>
      %mul3A_535 = vector.broadcast %squeeze3A_529 : f32 to vector<16xf32>
      %mul3A_536 = arith.mulf %mul3A_535, %get3A_534 : vector<16xf32>
      %add3A_537 = arith.addf %add3A_527, %mul3A_536 : vector<16xf32>
      %slice3A_538 = vector.extract_strided_slice %scan3A_92#2 {offsets = [12], sizes = [1], strides = [1]} : vector<16xf32> to vector<1xf32>
      %squeeze3A_539 = vector.extract %slice3A_538[0] : f32 from vector<1xf32>
      %get3A_540 = arith.constant 44 : i32
      %get3A_541 = arith.index_cast %get3A_540 : i32 to index
      %get3A_542 = arith.constant 0 : index
      %get3A_543 = tpu.vector_load %arg10[%get3A_541, %get3A_542] {strides = array<i32>} : memref<64x16xf32, #tpu.memory_space<vmem>>, vector<1x16xf32>,
      %get3A_544 = vector.shape_cast %get3A_543 : vector<1x16xf32> to vector<16xf32>
      %mul3A_545 = vector.broadcast %squeeze3A_539 : f32 to vector<16xf32>
      %mul3A_546 = arith.mulf %mul3A_545, %get3A_544 : vector<16xf32>
      %add3A_547 = arith.addf %add3A_537, %mul3A_546 : vector<16xf32>
      %slice3A_548 = vector.extract_strided_slice %scan3A_92#2 {offsets = [13], sizes = [1], strides = [1]} : vector<16xf32> to vector<1xf32>
      %squeeze3A_549 = vector.extract %slice3A_548[0] : f32 from vector<1xf32>
      %get3A_550 = arith.constant 45 : i32
      %get3A_551 = arith.index_cast %get3A_550 : i32 to index
      %get3A_552 = arith.constant 0 : index
      %get3A_553 = tpu.vector_load %arg10[%get3A_551, %get3A_552] {strides = array<i32>} : memref<64x16xf32, #tpu.memory_space<vmem>>, vector<1x16xf32>,
      %get3A_554 = vector.shape_cast %get3A_553 : vector<1x16xf32> to vector<16xf32>
      %mul3A_555 = vector.broadcast %squeeze3A_549 : f32 to vector<16xf32>
      %mul3A_556 = arith.mulf %mul3A_555, %get3A_554 : vector<16xf32>
      %add3A_557 = arith.addf %add3A_547, %mul3A_556 : vector<16xf32>
      %slice3A_558 = vector.extract_strided_slice %scan3A_92#2 {offsets = [14], sizes = [1], strides = [1]} : vector<16xf32> to vector<1xf32>
      %squeeze3A_559 = vector.extract %slice3A_558[0] : f32 from vector<1xf32>
      %get3A_560 = arith.constant 46 : i32
      %get3A_561 = arith.index_cast %get3A_560 : i32 to index
      %get3A_562 = arith.constant 0 : index
      %get3A_563 = tpu.vector_load %arg10[%get3A_561, %get3A_562] {strides = array<i32>} : memref<64x16xf32, #tpu.memory_space<vmem>>, vector<1x16xf32>,
      %get3A_564 = vector.shape_cast %get3A_563 : vector<1x16xf32> to vector<16xf32>
      %mul3A_565 = vector.broadcast %squeeze3A_559 : f32 to vector<16xf32>
      %mul3A_566 = arith.mulf %mul3A_565, %get3A_564 : vector<16xf32>
      %add3A_567 = arith.addf %add3A_557, %mul3A_566 : vector<16xf32>
      %slice3A_568 = vector.extract_strided_slice %scan3A_92#2 {offsets = [15], sizes = [1], strides = [1]} : vector<16xf32> to vector<1xf32>
      %squeeze3A_569 = vector.extract %slice3A_568[0] : f32 from vector<1xf32>
      %get3A_570 = arith.constant 47 : i32
      %get3A_571 = arith.index_cast %get3A_570 : i32 to index
      %get3A_572 = arith.constant 0 : index
      %get3A_573 = tpu.vector_load %arg10[%get3A_571, %get3A_572] {strides = array<i32>} : memref<64x16xf32, #tpu.memory_space<vmem>>, vector<1x16xf32>,
      %get3A_574 = vector.shape_cast %get3A_573 : vector<1x16xf32> to vector<16xf32>
      %mul3A_575 = vector.broadcast %squeeze3A_569 : f32 to vector<16xf32>
      %mul3A_576 = arith.mulf %mul3A_575, %get3A_574 : vector<16xf32>
      %add3A_577 = arith.addf %add3A_567, %mul3A_576 : vector<16xf32>
      %slice3A_578 = vector.extract_strided_slice %scan3A_92#3 {offsets = [0], sizes = [1], strides = [1]} : vector<16xf32> to vector<1xf32>
      %squeeze3A_579 = vector.extract %slice3A_578[0] : f32 from vector<1xf32>
      %get3A_580 = arith.constant 48 : i32
      %get3A_581 = arith.index_cast %get3A_580 : i32 to index
      %get3A_582 = arith.constant 0 : index
      %get3A_583 = tpu.vector_load %arg10[%get3A_581, %get3A_582] {strides = array<i32>} : memref<64x16xf32, #tpu.memory_space<vmem>>, vector<1x16xf32>,
      %get3A_584 = vector.shape_cast %get3A_583 : vector<1x16xf32> to vector<16xf32>
      %mul3A_585 = vector.broadcast %squeeze3A_579 : f32 to vector<16xf32>
      %mul3A_586 = arith.mulf %mul3A_585, %get3A_584 : vector<16xf32>
      %add3A_587 = arith.addf %add3A_577, %mul3A_586 : vector<16xf32>
      %slice3A_588 = vector.extract_strided_slice %scan3A_92#3 {offsets = [1], sizes = [1], strides = [1]} : vector<16xf32> to vector<1xf32>
      %squeeze3A_589 = vector.extract %slice3A_588[0] : f32 from vector<1xf32>
      %get3A_590 = arith.constant 49 : i32
      %get3A_591 = arith.index_cast %get3A_590 : i32 to index
      %get3A_592 = arith.constant 0 : index
      %get3A_593 = tpu.vector_load %arg10[%get3A_591, %get3A_592] {strides = array<i32>} : memref<64x16xf32, #tpu.memory_space<vmem>>, vector<1x16xf32>,
      %get3A_594 = vector.shape_cast %get3A_593 : vector<1x16xf32> to vector<16xf32>
      %mul3A_595 = vector.broadcast %squeeze3A_589 : f32 to vector<16xf32>
      %mul3A_596 = arith.mulf %mul3A_595, %get3A_594 : vector<16xf32>
      %add3A_597 = arith.addf %add3A_587, %mul3A_596 : vector<16xf32>
      %slice3A_598 = vector.extract_strided_slice %scan3A_92#3 {offsets = [2], sizes = [1], strides = [1]} : vector<16xf32> to vector<1xf32>
      %squeeze3A_599 = vector.extract %slice3A_598[0] : f32 from vector<1xf32>
      %get3A_600 = arith.constant 50 : i32
      %get3A_601 = arith.index_cast %get3A_600 : i32 to index
      %get3A_602 = arith.constant 0 : index
      %get3A_603 = tpu.vector_load %arg10[%get3A_601, %get3A_602] {strides = array<i32>} : memref<64x16xf32, #tpu.memory_space<vmem>>, vector<1x16xf32>,
      %get3A_604 = vector.shape_cast %get3A_603 : vector<1x16xf32> to vector<16xf32>
      %mul3A_605 = vector.broadcast %squeeze3A_599 : f32 to vector<16xf32>
      %mul3A_606 = arith.mulf %mul3A_605, %get3A_604 : vector<16xf32>
      %add3A_607 = arith.addf %add3A_597, %mul3A_606 : vector<16xf32>
      %slice3A_608 = vector.extract_strided_slice %scan3A_92#3 {offsets = [3], sizes = [1], strides = [1]} : vector<16xf32> to vector<1xf32>
      %squeeze3A_609 = vector.extract %slice3A_608[0] : f32 from vector<1xf32>
      %get3A_610 = arith.constant 51 : i32
      %get3A_611 = arith.index_cast %get3A_610 : i32 to index
      %get3A_612 = arith.constant 0 : index
      %get3A_613 = tpu.vector_load %arg10[%get3A_611, %get3A_612] {strides = array<i32>} : memref<64x16xf32, #tpu.memory_space<vmem>>, vector<1x16xf32>,
      %get3A_614 = vector.shape_cast %get3A_613 : vector<1x16xf32> to vector<16xf32>
      %mul3A_615 = vector.broadcast %squeeze3A_609 : f32 to vector<16xf32>
      %mul3A_616 = arith.mulf %mul3A_615, %get3A_614 : vector<16xf32>
      %add3A_617 = arith.addf %add3A_607, %mul3A_616 : vector<16xf32>
      %slice3A_618 = vector.extract_strided_slice %scan3A_92#3 {offsets = [4], sizes = [1], strides = [1]} : vector<16xf32> to vector<1xf32>
      %squeeze3A_619 = vector.extract %slice3A_618[0] : f32 from vector<1xf32>
      %get3A_620 = arith.constant 52 : i32
      %get3A_621 = arith.index_cast %get3A_620 : i32 to index
      %get3A_622 = arith.constant 0 : index
      %get3A_623 = tpu.vector_load %arg10[%get3A_621, %get3A_622] {strides = array<i32>} : memref<64x16xf32, #tpu.memory_space<vmem>>, vector<1x16xf32>,
      %get3A_624 = vector.shape_cast %get3A_623 : vector<1x16xf32> to vector<16xf32>
      %mul3A_625 = vector.broadcast %squeeze3A_619 : f32 to vector<16xf32>
      %mul3A_626 = arith.mulf %mul3A_625, %get3A_624 : vector<16xf32>
      %add3A_627 = arith.addf %add3A_617, %mul3A_626 : vector<16xf32>
      %slice3A_628 = vector.extract_strided_slice %scan3A_92#3 {offsets = [5], sizes = [1], strides = [1]} : vector<16xf32> to vector<1xf32>
      %squeeze3A_629 = vector.extract %slice3A_628[0] : f32 from vector<1xf32>
      %get3A_630 = arith.constant 53 : i32
      %get3A_631 = arith.index_cast %get3A_630 : i32 to index
      %get3A_632 = arith.constant 0 : index
      %get3A_633 = tpu.vector_load %arg10[%get3A_631, %get3A_632] {strides = array<i32>} : memref<64x16xf32, #tpu.memory_space<vmem>>, vector<1x16xf32>,
      %get3A_634 = vector.shape_cast %get3A_633 : vector<1x16xf32> to vector<16xf32>
      %mul3A_635 = vector.broadcast %squeeze3A_629 : f32 to vector<16xf32>
      %mul3A_636 = arith.mulf %mul3A_635, %get3A_634 : vector<16xf32>
      %add3A_637 = arith.addf %add3A_627, %mul3A_636 : vector<16xf32>
      %slice3A_638 = vector.extract_strided_slice %scan3A_92#3 {offsets = [6], sizes = [1], strides = [1]} : vector<16xf32> to vector<1xf32>
      %squeeze3A_639 = vector.extract %slice3A_638[0] : f32 from vector<1xf32>
      %get3A_640 = arith.constant 54 : i32
      %get3A_641 = arith.index_cast %get3A_640 : i32 to index
      %get3A_642 = arith.constant 0 : index
      %get3A_643 = tpu.vector_load %arg10[%get3A_641, %get3A_642] {strides = array<i32>} : memref<64x16xf32, #tpu.memory_space<vmem>>, vector<1x16xf32>,
      %get3A_644 = vector.shape_cast %get3A_643 : vector<1x16xf32> to vector<16xf32>
      %mul3A_645 = vector.broadcast %squeeze3A_639 : f32 to vector<16xf32>
      %mul3A_646 = arith.mulf %mul3A_645, %get3A_644 : vector<16xf32>
      %add3A_647 = arith.addf %add3A_637, %mul3A_646 : vector<16xf32>
      %slice3A_648 = vector.extract_strided_slice %scan3A_92#3 {offsets = [7], sizes = [1], strides = [1]} : vector<16xf32> to vector<1xf32>
      %squeeze3A_649 = vector.extract %slice3A_648[0] : f32 from vector<1xf32>
      %get3A_650 = arith.constant 55 : i32
      %get3A_651 = arith.index_cast %get3A_650 : i32 to index
      %get3A_652 = arith.constant 0 : index
      %get3A_653 = tpu.vector_load %arg10[%get3A_651, %get3A_652] {strides = array<i32>} : memref<64x16xf32, #tpu.memory_space<vmem>>, vector<1x16xf32>,
      %get3A_654 = vector.shape_cast %get3A_653 : vector<1x16xf32> to vector<16xf32>
      %mul3A_655 = vector.broadcast %squeeze3A_649 : f32 to vector<16xf32>
      %mul3A_656 = arith.mulf %mul3A_655, %get3A_654 : vector<16xf32>
      %add3A_657 = arith.addf %add3A_647, %mul3A_656 : vector<16xf32>
      %slice3A_658 = vector.extract_strided_slice %scan3A_92#3 {offsets = [8], sizes = [1], strides = [1]} : vector<16xf32> to vector<1xf32>
      %squeeze3A_659 = vector.extract %slice3A_658[0] : f32 from vector<1xf32>
      %get3A_660 = arith.constant 56 : i32
      %get3A_661 = arith.index_cast %get3A_660 : i32 to index
      %get3A_662 = arith.constant 0 : index
      %get3A_663 = tpu.vector_load %arg10[%get3A_661, %get3A_662] {strides = array<i32>} : memref<64x16xf32, #tpu.memory_space<vmem>>, vector<1x16xf32>,
      %get3A_664 = vector.shape_cast %get3A_663 : vector<1x16xf32> to vector<16xf32>
      %mul3A_665 = vector.broadcast %squeeze3A_659 : f32 to vector<16xf32>
      %mul3A_666 = arith.mulf %mul3A_665, %get3A_664 : vector<16xf32>
      %add3A_667 = arith.addf %add3A_657, %mul3A_666 : vector<16xf32>
      %slice3A_668 = vector.extract_strided_slice %scan3A_92#3 {offsets = [9], sizes = [1], strides = [1]} : vector<16xf32> to vector<1xf32>
      %squeeze3A_669 = vector.extract %slice3A_668[0] : f32 from vector<1xf32>
      %get3A_670 = arith.constant 57 : i32
      %get3A_671 = arith.index_cast %get3A_670 : i32 to index
      %get3A_672 = arith.constant 0 : index
      %get3A_673 = tpu.vector_load %arg10[%get3A_671, %get3A_672] {strides = array<i32>} : memref<64x16xf32, #tpu.memory_space<vmem>>, vector<1x16xf32>,
      %get3A_674 = vector.shape_cast %get3A_673 : vector<1x16xf32> to vector<16xf32>
      %mul3A_675 = vector.broadcast %squeeze3A_669 : f32 to vector<16xf32>
      %mul3A_676 = arith.mulf %mul3A_675, %get3A_674 : vector<16xf32>
      %add3A_677 = arith.addf %add3A_667, %mul3A_676 : vector<16xf32>
      %slice3A_678 = vector.extract_strided_slice %scan3A_92#3 {offsets = [10], sizes = [1], strides = [1]} : vector<16xf32> to vector<1xf32>
      %squeeze3A_679 = vector.extract %slice3A_678[0] : f32 from vector<1xf32>
      %get3A_680 = arith.constant 58 : i32
      %get3A_681 = arith.index_cast %get3A_680 : i32 to index
      %get3A_682 = arith.constant 0 : index
      %get3A_683 = tpu.vector_load %arg10[%get3A_681, %get3A_682] {strides = array<i32>} : memref<64x16xf32, #tpu.memory_space<vmem>>, vector<1x16xf32>,
      %get3A_684 = vector.shape_cast %get3A_683 : vector<1x16xf32> to vector<16xf32>
      %mul3A_685 = vector.broadcast %squeeze3A_679 : f32 to vector<16xf32>
      %mul3A_686 = arith.mulf %mul3A_685, %get3A_684 : vector<16xf32>
      %add3A_687 = arith.addf %add3A_677, %mul3A_686 : vector<16xf32>
      %slice3A_688 = vector.extract_strided_slice %scan3A_92#3 {offsets = [11], sizes = [1], strides = [1]} : vector<16xf32> to vector<1xf32>
      %squeeze3A_689 = vector.extract %slice3A_688[0] : f32 from vector<1xf32>
      %get3A_690 = arith.constant 59 : i32
      %get3A_691 = arith.index_cast %get3A_690 : i32 to index
      %get3A_692 = arith.constant 0 : index
      %get3A_693 = tpu.vector_load %arg10[%get3A_691, %get3A_692] {strides = array<i32>} : memref<64x16xf32, #tpu.memory_space<vmem>>, vector<1x16xf32>,
      %get3A_694 = vector.shape_cast %get3A_693 : vector<1x16xf32> to vector<16xf32>
      %mul3A_695 = vector.broadcast %squeeze3A_689 : f32 to vector<16xf32>
      %mul3A_696 = arith.mulf %mul3A_695, %get3A_694 : vector<16xf32>
      %add3A_697 = arith.addf %add3A_687, %mul3A_696 : vector<16xf32>
      %slice3A_698 = vector.extract_strided_slice %scan3A_92#3 {offsets = [12], sizes = [1], strides = [1]} : vector<16xf32> to vector<1xf32>
      %squeeze3A_699 = vector.extract %slice3A_698[0] : f32 from vector<1xf32>
      %get3A_700 = arith.constant 60 : i32
      %get3A_701 = arith.index_cast %get3A_700 : i32 to index
      %get3A_702 = arith.constant 0 : index
      %get3A_703 = tpu.vector_load %arg10[%get3A_701, %get3A_702] {strides = array<i32>} : memref<64x16xf32, #tpu.memory_space<vmem>>, vector<1x16xf32>,
      %get3A_704 = vector.shape_cast %get3A_703 : vector<1x16xf32> to vector<16xf32>
      %mul3A_705 = vector.broadcast %squeeze3A_699 : f32 to vector<16xf32>
      %mul3A_706 = arith.mulf %mul3A_705, %get3A_704 : vector<16xf32>
      %add3A_707 = arith.addf %add3A_697, %mul3A_706 : vector<16xf32>
      %slice3A_708 = vector.extract_strided_slice %scan3A_92#3 {offsets = [13], sizes = [1], strides = [1]} : vector<16xf32> to vector<1xf32>
      %squeeze3A_709 = vector.extract %slice3A_708[0] : f32 from vector<1xf32>
      %get3A_710 = arith.constant 61 : i32
      %get3A_711 = arith.index_cast %get3A_710 : i32 to index
      %get3A_712 = arith.constant 0 : index
      %get3A_713 = tpu.vector_load %arg10[%get3A_711, %get3A_712] {strides = array<i32>} : memref<64x16xf32, #tpu.memory_space<vmem>>, vector<1x16xf32>,
      %get3A_714 = vector.shape_cast %get3A_713 : vector<1x16xf32> to vector<16xf32>
      %mul3A_715 = vector.broadcast %squeeze3A_709 : f32 to vector<16xf32>
      %mul3A_716 = arith.mulf %mul3A_715, %get3A_714 : vector<16xf32>
      %add3A_717 = arith.addf %add3A_707, %mul3A_716 : vector<16xf32>
      %slice3A_718 = vector.extract_strided_slice %scan3A_92#3 {offsets = [14], sizes = [1], strides = [1]} : vector<16xf32> to vector<1xf32>
      %squeeze3A_719 = vector.extract %slice3A_718[0] : f32 from vector<1xf32>
      %get3A_720 = arith.constant 62 : i32
      %get3A_721 = arith.index_cast %get3A_720 : i32 to index
      %get3A_722 = arith.constant 0 : index
      %get3A_723 = tpu.vector_load %arg10[%get3A_721, %get3A_722] {strides = array<i32>} : memref<64x16xf32, #tpu.memory_space<vmem>>, vector<1x16xf32>,
      %get3A_724 = vector.shape_cast %get3A_723 : vector<1x16xf32> to vector<16xf32>
      %mul3A_725 = vector.broadcast %squeeze3A_719 : f32 to vector<16xf32>
      %mul3A_726 = arith.mulf %mul3A_725, %get3A_724 : vector<16xf32>
      %add3A_727 = arith.addf %add3A_717, %mul3A_726 : vector<16xf32>
      %slice3A_728 = vector.extract_strided_slice %scan3A_92#3 {offsets = [15], sizes = [1], strides = [1]} : vector<16xf32> to vector<1xf32>
      %squeeze3A_729 = vector.extract %slice3A_728[0] : f32 from vector<1xf32>
      %get3A_730 = arith.constant 63 : i32
      %get3A_731 = arith.index_cast %get3A_730 : i32 to index
      %get3A_732 = arith.constant 0 : index
      %get3A_733 = tpu.vector_load %arg10[%get3A_731, %get3A_732] {strides = array<i32>} : memref<64x16xf32, #tpu.memory_space<vmem>>, vector<1x16xf32>,
      %get3A_734 = vector.shape_cast %get3A_733 : vector<1x16xf32> to vector<16xf32>
      %mul3A_735 = vector.broadcast %squeeze3A_729 : f32 to vector<16xf32>
      %mul3A_736 = arith.mulf %mul3A_735, %get3A_734 : vector<16xf32>
      %add3A_737 = arith.addf %add3A_727, %mul3A_736 : vector<16xf32>
      %swap3A_738 = arith.constant 0 : index
      %swap3A_739 = tpu.vector_load %arg12[%swap3A_738] {strides = array<i32>} : memref<16xf32, #tpu.memory_space<vmem>>, vector<16xf32>,
      %swap3A_740 = vector.shape_cast %swap3A_739 : vector<16xf32> to vector<16xf32>
      %swap3A_741 = vector.shape_cast %add3A_737 : vector<16xf32> to vector<16xf32>
      tpu.vector_store %arg12[%swap3A_738], %swap3A_741 {strides = array<i32>} : memref<16xf32, #tpu.memory_space<vmem>>, vector<16xf32>,
      "tpu.region"() ({
        %run_scoped3A = tpu.sem_alloc : memref<!tpu.dma_semaphore, #tpu.memory_space<semaphore_mem>>
        %dma_start3A_742 = arith.constant 0 : i32
        %dma_start3A_743 = tpu.memref_slice %arg6[%arg0, %dma_start3A_742] : memref<2x16xf32, #tpu.memory_space<hbm>> -> memref<1x16xf32, #tpu.memory_space<hbm>>
        %dma_start3A_744 = tpu.memref_squeeze %dma_start3A_743 : memref<1x16xf32, #tpu.memory_space<hbm>> -> memref<16xf32, #tpu.memory_space<hbm>>
        %dma_start3A_745 = arith.constant 0 : i32
        %dma_start3A_746 = tpu.memref_slice %arg6[%arg0, %dma_start3A_745] : memref<2x16xf32, #tpu.memory_space<hbm>> -> memref<1x16xf32, #tpu.memory_space<hbm>>
        %dma_start3A_747 = tpu.memref_squeeze %dma_start3A_746 : memref<1x16xf32, #tpu.memory_space<hbm>> -> memref<16xf32, #tpu.memory_space<hbm>>
        tpu.enqueue_dma source(%arg12 : memref<16xf32, #tpu.memory_space<vmem>>) target(%dma_start3A_747 : memref<16xf32, #tpu.memory_space<hbm>>) target_semaphore(%run_scoped3A : memref<!tpu.dma_semaphore, #tpu.memory_space<semaphore_mem>>)
        %dma_wait3A_748 = arith.constant 0 : i32
        %dma_wait3A_749 = tpu.memref_slice %arg6[%arg0, %dma_wait3A_748] : memref<2x16xf32, #tpu.memory_space<hbm>> -> memref<1x16xf32, #tpu.memory_space<hbm>>
        %dma_wait3A_750 = tpu.memref_squeeze %dma_wait3A_749 : memref<1x16xf32, #tpu.memory_space<hbm>> -> memref<16xf32, #tpu.memory_space<hbm>>
        %dma_wait3A_751 = arith.constant 0 : i32
        %dma_wait3A_752 = tpu.memref_slice %arg6[%arg0, %dma_wait3A_751] : memref<2x16xf32, #tpu.memory_space<hbm>> -> memref<1x16xf32, #tpu.memory_space<hbm>>
        %dma_wait3A_753 = tpu.memref_squeeze %dma_wait3A_752 : memref<1x16xf32, #tpu.memory_space<hbm>> -> memref<16xf32, #tpu.memory_space<hbm>>
        tpu.wait_dma2 semaphore(%run_scoped3A : memref<!tpu.dma_semaphore, #tpu.memory_space<semaphore_mem>>) src(%arg12 : memref<16xf32, #tpu.memory_space<vmem>>) dst(%dma_wait3A_753 : memref<16xf32, #tpu.memory_space<hbm>>)
        tpu.yield
      }) : () -> ()
    } else {
    }
    return
  }
}

</mosaic_0001>

<sc_bundles>
// kernel: kernel.3.cloned.1.call-start
scs
__scs_entry_jumppad:
0x0: {  	(pc) =	sbr.rel $0x88, $3  }
0x1: {  	(tag) =	ssettag $0x0;
	lr =	simm.s32 $0x1  }
0x2: {  	[smem:$0x3F9D] =	sst lr;
	_ =	strace $0xD0000000  }
0x3: {  	_ = 	snop  }
0x4: {  	_ = 	snop  }
0x5: {  	_ = 	snop  }
0x6: {  	_ = 	snop  }
0x7: {  	_ = 	snop  }
__scs_overlays_trampoline_lowered:
0x8: {  	[smem:$0x3FAC] =	sst s0  }
0x9: {  	[smem:$0x3FAD] =	sst s1  }
0xa: {  	[smem:$0x3FAE] =	sst s2  }
0xb: {  	[smem:$0x3FAF] =	sst s3  }
0xc: {  	[smem:$0x3FB0] =	sst s4  }
0xd: {  	[smem:$0x3FB1] =	sst s5  }
0xe: {  	[smem:$0x3FB2] =	sst s6  }
0xf: {  	[smem:$0x3FB3] =	sst s7  }
0x10: {  	[smem:$0x3FB4] =	sst s8  }
0x11: {  	[smem:$0x3FB5] =	sst s9;
	s0 =	simm.s32 @!p0 $0x0  }
0x12: {  	s1 =	sld [smem:$0x3F9B];
	s0 =	simm.s32 @p0 $0x1  }
0x13: {  	[smem:$0x3FB6] =	sst s0;
	s0 =	simm.s32 @!p1 $0x0  }
0x14: {  	s2 =	sld [smem:$0x3F9A];
	s0 =	simm.s32 @p1 $0x1  }
0x15: {  	[smem:$0x3FB7] =	sst s0;
	s0 =	simm.s32 @!p2 $0x0  }
0x16: {  	s3 =	sld [smem:$0x3FDB];
	s0 =	simm.s32 @p2 $0x1  }
0x17: {  	s4 =	simm.s32 $0x1BF5;
	[smem:$0x3FB9] =	sst s0  }
0x18: {  	s0 =	sld [smem:$0x3F9C];
	_ =	swait.ge [sflag:s4], $0x0  }
0x19: {  	s7 =	sld [smem:$0x3F9D]  }
0x1a: {  	s8 =	sadd.s32 $0xFFFFE003, lr  }
0x1b: {  	s9 =	sadd.s32 $0xFFFFFEF7, lr;
	s5 =	simm.s32 $0xFFFFFFFF;
	p2 =	slt.u32 s8, $0xFFFFF086  }
0x1c: {  	p1 =	slt.u32 s9, $0xF7A;
	s5 =	simm.s32 @!p2 $0x0  }
0x1d: {  	s5 =	simm.s32 @p1 $0x1;
	p0 =	seq.s32 s7, s2  }
0x1e: {  	s7 =	smul.u32 @!p0 $0xF7A, s2;
	p2 =	seq.s32 @!p0 s5, $0x0  }
0x1f: {  	s9 =	smul.u32 $0xF7A, s1;
	s8 =	simm.s32 @!p0 $0x1BF5;
	p2 =	por !p2, p0  }
0x20: {  	[sflag:s8] =	ssyncset.s32 @!p0 $0xFFFFF086;
	s6 =	sadd.s32 @!p0 s3, s7;
	s7 =	simm.s32 @!p0 $0x108  }
0x21: {  	s3 =	sadd.s32 s3, s9;
	s6 =	sadd.s32 @!p0 $0x88, s6;
	s7 =	simm.s32 @p2 $0x1082  }
0x22: {  	[simem:s7], [sflag:s8] =	dma.local @!p0 [hbm:s6], $0xF7A  }
0x23: {  	s9 =	sor.u32 $0xD0000000, s2;
	s6 =	simm.s32 $0x108;
	_ =	swait.ge @!p0 [sflag:s8], $0x0  }
0x24: {  	s3 =	sadd.s32 $0x88, s3;
	s6 =	simm.s32 @!p1 $0x1082;
	[sflag:s4] =	ssyncset.s32 $0xFFFFF086  }
0x25: {  	[simem:s6], [sflag:s4] =	dma.local [hbm:s3], $0xF7A  }
0x26: {  	[smem:$0x3F9D] =	sst s1;
	(tag) =	ssettag s2;
	_ =	strace s9  }
0x27: {  	s1 =	sld [smem:$0x3FAD]  }
0x28: {  	s2 =	sld [smem:$0x3FAE]  }
0x29: {  	s4 =	sld [smem:$0x3FB0]  }
0x2a: {  	p0 =	seq.s32 s5, $0x0;
	s5 =	sld [smem:$0x3FB1]  }
0x2b: {  	s6 =	sld [smem:$0x3FB2]  }
0x2c: {  	s7 =	sld [smem:$0x3FB3]  }
0x2d: {  	s3 =	simm.s32 $0x108;
	s8 =	sld [smem:$0x3FB4]  }
0x2e: {  	s3 =	simm.s32 @!p0 $0x1082;
	s9 =	sld [smem:$0x3FB5]  }
0x2f: {  	lr =	sadd.s32 s0, s3;
	s0 =	sld [smem:$0x3FAC]  }
0x30: {  	s3 =	sld [smem:$0x3FAF]  }
0x31: {  	[smem:$0x3FB8] =	sst s10  }
0x32: {  	s10 =	sld [smem:$0x3FB6];
	_ =	sdelay $0x3  }
0x33: {  	p0 =	seq.s32 s10, $0x1;
	s10 =	sld [smem:$0x3FB8];
	_ =	sdelay $0x3  }
0x34: {  	[smem:$0x3FB8] =	sst s10  }
0x35: {  	s10 =	sld [smem:$0x3FB7];
	_ =	sdelay $0x3  }
0x36: {  	p1 =	seq.s32 s10, $0x1;
	s10 =	sld [smem:$0x3FB8];
	_ =	sdelay $0x3  }
0x37: {  	[smem:$0x3FB8] =	sst s10  }
0x38: {  	s10 =	sld [smem:$0x3FB9]  }
0x39: {  	_ = 	snop;
	(pc) =	sbr.ind lr, $3  }
0x3a: {  	_ = 	snop  }
0x3b: {  	_ = 	snop  }
0x3c: {  	p2 =	seq.s32 s10, $0x1;
	s10 =	sld [smem:$0x3FB8]  }
0x3d: {  	_ =	shalt  }
0x3e: {  	_ =	shalt  }
0x3f: {  	_ =	shalt  }
0x40: {  	_ =	shalt  }
0x41: {  	_ =	shalt  }
0x42: {  	_ =	shalt  }
0x43: {  	_ =	shalt  }
0x44: {  	_ =	shalt  }
0x45: {  	_ =	shalt  }
0x46: {  	_ =	shalt  }
0x47: {  	_ =	shalt  }
0x48: {  	_ =	shalt  }
0x49: {  	_ =	shalt  }
0x4a: {  	_ =	shalt  }
0x4b: {  	_ =	shalt  }
0x4c: {  	_ =	shalt  }
0x4d: {  	_ =	shalt  }
0x4e: {  	_ =	shalt  }
0x4f: {  	_ =	shalt  }
0x50: {  	_ =	shalt  }
0x51: {  	_ =	shalt  }
0x52: {  	_ =	shalt  }
0x53: {  	_ =	shalt  }
0x54: {  	_ =	shalt  }
0x55: {  	_ =	shalt  }
0x56: {  	_ =	shalt  }
0x57: {  	_ =	shalt  }
0x58: {  	_ =	shalt  }
0x59: {  	_ =	shalt  }
0x5a: {  	_ =	shalt  }
0x5b: {  	_ =	shalt  }
0x5c: {  	_ =	shalt  }
0x5d: {  	_ =	shalt  }
0x5e: {  	_ =	shalt  }
0x5f: {  	_ =	shalt  }
0x60: {  	_ =	shalt  }
0x61: {  	_ =	shalt  }
0x62: {  	_ =	shalt  }
0x63: {  	_ =	shalt  }
0x64: {  	_ =	shalt  }
0x65: {  	_ =	shalt  }
0x66: {  	_ =	shalt  }
0x67: {  	_ =	shalt  }
0x68: {  	_ =	shalt  }
0x69: {  	_ =	shalt  }
0x6a: {  	_ =	shalt  }
0x6b: {  	_ =	shalt  }
0x6c: {  	_ =	shalt  }
0x6d: {  	_ =	shalt  }
0x6e: {  	_ =	shalt  }
0x6f: {  	_ =	shalt  }
0x70: {  	_ =	shalt  }
0x71: {  	_ =	shalt  }
0x72: {  	_ =	shalt  }
0x73: {  	_ =	shalt  }
0x74: {  	_ =	shalt  }
0x75: {  	_ =	shalt  }
0x76: {  	_ =	shalt  }
0x77: {  	_ =	shalt  }
0x78: {  	_ =	shalt  }
0x79: {  	_ =	shalt  }
0x7a: {  	_ =	shalt  }
0x7b: {  	_ =	shalt  }
0x7c: {  	_ =	shalt  }
0x7d: {  	_ =	shalt  }
0x7e: {  	_ =	shalt  }
0x7f: {  	_ =	shalt  }
0x80: {  	_ =	shalt  }
0x81: {  	_ =	shalt  }
0x82: {  	_ =	shalt  }
0x83: {  	_ =	shalt  }
0x84: {  	_ =	shalt  }
0x85: {  	_ =	shalt  }
0x86: {  	_ =	shalt  }
0x87: {  	_ =	shalt  }
.Lfunc_end0:
.L_simem_size_0:
called_computation_lowered:
.L_overlay_start_0:
0x88: {  	s2 =	sld [smem:$0x3FD9]  }
0x89: {  	s3 =	sld [smem:$0x3FFE];
	_ =	sdelay $0x1  }
0x8a: {  	s1 =	srdreg.scid  }
0x8b: {  	s0 =	sand.u32 $0x1, s1  }
0x8c: {  	s17 =	sshll.u32 s0, $0xA;
	s2 =	sadd.s32 s3, s2  }
0x8d: {  	s2 =	sadd.s32 s2, s17  }
0x8e: {  	[smem:$0x3FC4] =	sst s2  }
0x8f: {  	_ = 	snop  }
0x90: {  	s2 =	sld [smem:$0x3FC9]  }
0x91: {  	s18 =	sld [smem:$0x3FD0];
	(tm) =	ssettm $0x1  }
0x92: {  	s4 =	sld [smem:$0x3FFB];
	_ =	sdelay $0x3  }
0x93: {  	_ =	strace s4  }
0x94: {  	s4 =	sld [smem:$0x3FFC];
	_ =	sdelay $0x3  }
0x95: {  	_ =	strace s4  }
0x96: {  	s4 =	sld [smem:$0x3FFD];
	_ =	sdelay $0x3  }
0x97: {  	_ =	strace s4  }
0x98: {  	_ =	strace $0x8FFFFFFF  }
0x99: {  	s19 =	sld [smem:$0x3FDB];
	_ =	sdelay $0x1  }
0x9a: {  	s5 =	simm.s32 $_scs_section_size  }
0x9b: {  	s6 =	simm.s32 $_size__tile_overlayer_lowered;
	s7 =	simm.s32 $_tile_overlayer_lowered  }
0x9c: {  	s22 =	simm.s32 $0x1BFF;
	s21 =	sshll.u32 s7, $0x1;
	s4 =	sadd.s32 s5, s19  }
0x9d: {  	s8 =	simm.s32 $0x0;
	s20 =	sshll.u32 s6, $0x1;
	s6 =	sadd.s32 s21, s4  }
0x9e: {  	[timem:s8], [sflag:s22] =	dma.local [hbm:s6], s20  }
0x9f: {  	_ =	swait.ge [sflag:s22], s20  }
0xa0: {  	s5 =	ssub.s32 $0x0, s20;
	[sflag:s22] =	ssyncset.done $0x0  }
0xa1: {  	[sflag:s22] =	ssyncadd.s32 s5;
	_ =	sdelay $0x1  }
0xa2: {  	s23 =	simm.s32 $0x1B8B  }
0xa3: {  	_ =	swait.ge [sflag:s23], $0x1  }
0xa4: {  	[sflag:s23] =	ssyncset.done $0x0  }
0xa5: {  	s25 =	simm.s32 $0x1B8E;
	s24 =	sld [smem:$0x3FFE];
	[sflag:s23] =	ssyncadd.s32 $0xFFFFFFFF  }
0xa6: {  	s26 =	simm.s32 $execute0_lowered;
	[smem:$0x3FD2] =	sst s25  }
0xa7: {  	s6 =	sshll.u32 s26, $0x1;
	_ =	strace $0x80000046;
	[dreg:$0x1] =	wrdreg $0xFFFFFFFF  }
0xa8: {  	s28 =	simm.s32 $_size_execute0_lowered;
	s4 =	sadd.s32 s4, s6;
	[dreg:$0x0] =	wrdreg $0x0  }
0xa9: {  	s6 =	sshll.u32 s28, $0x1;
	[dreg:$0x2] =	wrdreg s4  }
0xaa: {  	[dreg:$0x3] =	wrdreg s6  }
0xab: {  	[dreg:$0x4] =	wrdreg $0xC0  }
0xac: {  	_ =	task [dreg:s8], $0x5FFFF  }
0xad: {  	[dreg:$0x1] =	wrdreg $0xFFFFFFFF  }
0xae: {  	[dreg:$0x0] =	wrdreg $0x60  }
0xaf: {  	[dreg:$0x2] =	wrdreg s2  }
0xb0: {  	[dreg:$0x3] =	wrdreg s24  }
0xb1: {  	[dreg:$0x4] =	wrdreg s18  }
0xb2: {  	[dreg:$0x5] =	wrdreg $0x86600  }
0xb3: {  	[dreg:$0x6] =	wrdreg $0x9  }
0xb4: {  	_ =	task.clear_ibuf [dreg:s8], $0x7FFFF;
	_ =	strace $0x90000046  }
0xb5: {  	s29 =	simm.s32 $0x9;
	_ =	strace $0x80000048  }
0xb6: {  	_ =	swait.ge [sflag:s29], $0x1  }
0xb7: {  	[sflag:s29] =	ssyncadd.s32 $0xFFFFFFFF  }
0xb8: {  	_ =	strace $0x90000048  }
0xb9: {  	_ =	sfence  }
0xba: {  	s30 =	sld [smem:$0x0];
	_ =	sdelay $0x2  }
0xbb: {  	s31 =	sshll.u32 s1, $0xD;
	s1 =	sshrl.u32 s1, $0x2  }
0xbc: {  	s3 =	sand.u32 $0x4000, s31;
	s1 =	sadd.s32 s1, s30  }
0xbd: {  	s0 =	sor.u32 s3, s0;
	s1 =	sshll.u32 s1, $0x11  }
0xbe: {  	s0 =	sor.u32 s1, s0  }
0xbf: {  	s0 =	sadd.s32 $0x8F2B, s0  }
0xc0: {  	[sflag:s0] =	ssyncadd.remote.s32 $0x1  }
0xc1: {  	_ =	sfence.sel $0xFFFF  }
0xc2: {  	[dreg:$0x0] =	wrdreg $0xFFFFFFFF;
	(pc) =	sbr.abs _section_cstart, $3  }
0xc3: {  	[dreg:$0x1] =	wrdreg $0xFFFFFFFF  }
0xc4: {  	_ =	task.clear_ibuf [dreg:s8], $0x2FFFF;
	_ =	strace $0x9FFFFFFF  }
0xc5: {  	(tm) =	ssettm $0x7FFFFFFF  }
tec
execute0_lowered:
.L_overlay_start_1:
0x0: {  	(tag) =	ssettag $0x1  }
0x1: {  	s6 =	rddreg [dreg:$0x0]  }
0x2: {  	s7 =	rddreg [dreg:$0x1]  }
0x3: {  	s1 =	rddreg [dreg:$0x2]  }
0x4: {  	s2 =	rddreg [dreg:$0x3]  }
0x5: {  	s0 =	rddreg [dreg:$0x4];
	s3 =	simm.s32 $0x0;
	s8 =	srdreg.scid  }
0x6: {  	s19 =	stileid.u32;
	s13 =	simm.s32 $0x2200;
	s14 =	simm.s32 $0x100  }
0x7: {  	s15 =	simm.s32 $0x4200;
	s16 =	simm.s32 $0x180;
	s17 =	simm.s32 $0x6200  }
0x8: {  	s18 =	simm.s32 $0x1;
	s20 =	simm.s32 $0x8240;
	s22 =	simm.s32 $0x8650  }
0x9: {  	s23 =	simm.s32 $0x0;
	[smem:$0x7FF] =	sst s3;
	s4 =	sadd.s32 $0xF42800, s7  }
0xa: {  	s5 =	sadd.s32 $0x400, s7;
	s8 =	sand.u32 $0x1, s8;
	s11 =	sshll.u32 s19, $0x6  }
0xb: {  	p0 =	sne.s32 s19, $0x0;
	s19 =	simm.s32 $0x8200;
	_ =	strace $0x80000047  }
0xc: {  	s9 =	sshll.u32 s8, $0x1;
	s10 =	ssub.s32 $0x2, s8;
	s12 =	sshll.u32 s8, $0xA  }
.Ltmp0:
0xd: {  	s6 =	sadd.s32 s6, s11;
	s8 =	scvt.s32.f32 s8;
	(pc) =	sbr.rel .LBB2_1-.Ltmp0, $4  }
0xe: {  	s9 =	sadd.s32 s9, s7;
	s31 =	sshrl.u32 s10, $0x1;
	s6 =	sadd.s32 s12, s6  }
0xf: {  	s7 =	sadd.s32 s11, s2;
	s11 =	simm.s32 $0x80;
	s21 =	ssub.f32 $1.000000000e+00, s8  }
0x10: {  	s12 =	simm.s32 $0x200;
	s10 =	ssub.s32 s10, s31;
	s8 =	sadd.s32 $0x600, s9  }
0x11: {  	s9 =	smax.u32 s10, $0x1;
	s10 =	simm.s32 $0x2;
	v0 =	vmov s21;
	s21 =	simm.s32 $0x8640  }
.LBB2_6:
0x12: {  	v9 =	vld [tilespmem:$0x8640]  }
0x13: {  	v10 =	vld [tilespmem:$0x8240]  }
0x14: {  	v7 =	vadd.f32 v7, v8  }
0x15: {  	v58 =	vld [tilespmem:$0x8250]  }
0x16: {  	v11 =	vbroadcast v7, $0x0  }
0x17: {  	v12 =	vld [tilespmem:$0x8260];
	v59 =	vbroadcast v7, $0x1  }
0x18: {  	v9 =	vmul.f32 v9, v0;
	v10 =	vmul.f32 v10, v11  }
0x19: {  	v13 =	vld [tilespmem:$0x8270]  }
0x1a: {  	v60 =	vbroadcast v7, $0x2;
	v8 =	vmul.f32 v58, v59;
	v9 =	vadd.f32 v10, v9  }
0x1b: {  	v61 =	vld [tilespmem:$0x8280]  }
0x1c: {  	v63 =	vbroadcast v7, $0x3;
	v62 =	vmul.f32 v12, v60;
	v8 =	vadd.f32 v8, v9  }
0x1d: {  	v16 =	vld [tilespmem:$0x8290]  }
0x1e: {  	v18 =	vbroadcast v7, $0x4;
	v17 =	vmul.f32 v13, v63;
	v8 =	vadd.f32 v62, v8  }
0x1f: {  	v19 =	vld [tilespmem:$0x82A0]  }
0x20: {  	v21 =	vbroadcast v7, $0x5;
	v20 =	vmul.f32 v61, v18;
	v8 =	vadd.f32 v17, v8  }
0x21: {  	v22 =	vld [tilespmem:$0x82B0]  }
0x22: {  	v24 =	vbroadcast v7, $0x6;
	v23 =	vmul.f32 v16, v21;
	v8 =	vadd.f32 v20, v8  }
0x23: {  	v25 =	vld [tilespmem:$0x82C0]  }
0x24: {  	v27 =	vbroadcast v7, $0x7;
	v26 =	vmul.f32 v19, v24;
	v8 =	vadd.f32 v23, v8  }
0x25: {  	v28 =	vld [tilespmem:$0x82D0]  }
0x26: {  	v30 =	vbroadcast v7, $0x8;
	v29 =	vmul.f32 v22, v27;
	v8 =	vadd.f32 v26, v8  }
0x27: {  	v31 =	vld [tilespmem:$0x82E0]  }
0x28: {  	v33 =	vbroadcast v7, $0x9;
	v32 =	vmul.f32 v25, v30;
	v8 =	vadd.f32 v29, v8  }
0x29: {  	v34 =	vld [tilespmem:$0x82F0]  }
0x2a: {  	v36 =	vbroadcast v7, $0xA;
	v35 =	vmul.f32 v28, v33;
	v8 =	vadd.f32 v32, v8  }
0x2b: {  	v37 =	vld [tilespmem:$0x8300]  }
0x2c: {  	v39 =	vbroadcast v7, $0xB;
	v38 =	vmul.f32 v31, v36;
	v8 =	vadd.f32 v35, v8  }
0x2d: {  	v40 =	vld [tilespmem:$0x8310]  }
0x2e: {  	v42 =	vbroadcast v7, $0xC;
	v41 =	vmul.f32 v34, v39;
	v8 =	vadd.f32 v38, v8  }
0x2f: {  	v43 =	vld [tilespmem:$0x8320]  }
0x30: {  	v45 =	vbroadcast v7, $0xD;
	v44 =	vmul.f32 v37, v42;
	v8 =	vadd.f32 v41, v8  }
0x31: {  	v46 =	vld [tilespmem:$0x8330]  }
0x32: {  	v48 =	vbroadcast v7, $0xE;
	v47 =	vmul.f32 v40, v45;
	v8 =	vadd.f32 v44, v8  }
0x33: {  	v5 =	vadd.f32 v5, v6;
	v49 =	vld [tilespmem:$0x8340]  }
0x34: {  	v7 =	vbroadcast v7, $0xF;
	v50 =	vmul.f32 v43, v48;
	v8 =	vadd.f32 v47, v8  }
0x35: {  	v51 =	vld [tilespmem:$0x8350]  }
0x36: {  	v52 =	vbroadcast v5, $0x0;
	v7 =	vmul.f32 v46, v7;
	v8 =	vadd.f32 v50, v8  }
0x37: {  	v53 =	vld [tilespmem:$0x8360]  }
0x38: {  	v54 =	vbroadcast v5, $0x1;
	v6 =	vmul.f32 v49, v52;
	v7 =	vadd.f32 v7, v8  }
0x39: {  	v55 =	vld [tilespmem:$0x8370]  }
0x3a: {  	v57 =	vbroadcast v5, $0x2;
	v56 =	vmul.f32 v51, v54;
	v6 =	vadd.f32 v6, v7  }
0x3b: {  	v58 =	vld [tilespmem:$0x8380]  }
0x3c: {  	v59 =	vmul.f32 v53, v57;
	v60 =	vbroadcast v5, $0x3;
	v6 =	vadd.f32 v56, v6  }
0x3d: {  	v61 =	vld [tilespmem:$0x8390]  }
0x3e: {  	v63 =	vbroadcast v5, $0x4;
	v62 =	vmul.f32 v55, v60;
	v6 =	vadd.f32 v59, v6  }
0x3f: {  	v12 =	vld [tilespmem:$0x83A0]  }
0x40: {  	v14 =	vbroadcast v5, $0x5;
	v13 =	vmul.f32 v58, v63;
	v6 =	vadd.f32 v62, v6  }
0x41: {  	v15 =	vld [tilespmem:$0x83B0]  }
0x42: {  	v16 =	vmul.f32 v61, v14;
	v17 =	vbroadcast v5, $0x6;
	v6 =	vadd.f32 v13, v6  }
0x43: {  	v18 =	vld [tilespmem:$0x83C0]  }
0x44: {  	v19 =	vmul.f32 v12, v17;
	v20 =	vbroadcast v5, $0x7;
	v6 =	vadd.f32 v16, v6  }
0x45: {  	v21 =	vld [tilespmem:$0x83D0]  }
0x46: {  	v22 =	vmul.f32 v15, v20;
	v23 =	vbroadcast v5, $0x8;
	v6 =	vadd.f32 v19, v6  }
0x47: {  	v24 =	vld [tilespmem:$0x83E0]  }
0x48: {  	v25 =	vmul.f32 v18, v23;
	v26 =	vbroadcast v5, $0x9;
	v6 =	vadd.f32 v22, v6  }
0x49: {  	v27 =	vld [tilespmem:$0x83F0]  }
0x4a: {  	v28 =	vmul.f32 v21, v26;
	v29 =	vbroadcast v5, $0xA;
	v6 =	vadd.f32 v25, v6  }
0x4b: {  	v30 =	vld [tilespmem:$0x8400]  }
0x4c: {  	v31 =	vmul.f32 v24, v29;
	v32 =	vbroadcast v5, $0xB;
	v6 =	vadd.f32 v28, v6  }
0x4d: {  	v33 =	vld [tilespmem:$0x8410]  }
0x4e: {  	v34 =	vmul.f32 v27, v32;
	v35 =	vbroadcast v5, $0xC;
	v6 =	vadd.f32 v31, v6  }
0x4f: {  	v36 =	vld [tilespmem:$0x8420]  }
0x50: {  	v37 =	vmul.f32 v30, v35;
	v38 =	vbroadcast v5, $0xD;
	v6 =	vadd.f32 v34, v6  }
0x51: {  	v39 =	vld [tilespmem:$0x8430]  }
0x52: {  	v40 =	vmul.f32 v33, v38;
	v41 =	vbroadcast v5, $0xE;
	v6 =	vadd.f32 v37, v6  }
0x53: {  	v3 =	vadd.f32 v3, v4;
	v42 =	vld [tilespmem:$0x8440]  }
0x54: {  	v5 =	vbroadcast v5, $0xF;
	v43 =	vmul.f32 v36, v41;
	v6 =	vadd.f32 v40, v6  }
0x55: {  	v44 =	vld [tilespmem:$0x8450]  }
0x56: {  	v45 =	vbroadcast v3, $0x0;
	v5 =	vmul.f32 v39, v5;
	v6 =	vadd.f32 v43, v6  }
0x57: {  	v46 =	vld [tilespmem:$0x8460]  }
0x58: {  	v4 =	vmul.f32 v42, v45;
	v47 =	vbroadcast v3, $0x1;
	v5 =	vadd.f32 v5, v6  }
0x59: {  	v48 =	vld [tilespmem:$0x8470]  }
0x5a: {  	v50 =	vbroadcast v3, $0x2;
	v49 =	vmul.f32 v44, v47;
	v4 =	vadd.f32 v4, v5  }
0x5b: {  	v51 =	vld [tilespmem:$0x8480]  }
0x5c: {  	v53 =	vbroadcast v3, $0x3;
	v52 =	vmul.f32 v46, v50;
	v4 =	vadd.f32 v49, v4  }
0x5d: {  	v54 =	vld [tilespmem:$0x8490]  }
0x5e: {  	v55 =	vmul.f32 v48, v53;
	v56 =	vbroadcast v3, $0x4;
	v4 =	vadd.f32 v52, v4  }
0x5f: {  	v57 =	vld [tilespmem:$0x84A0]  }
0x60: {  	v58 =	vmul.f32 v51, v56;
	v59 =	vbroadcast v3, $0x5;
	v4 =	vadd.f32 v55, v4  }
0x61: {  	v60 =	vld [tilespmem:$0x84B0]  }
0x62: {  	v61 =	vmul.f32 v54, v59;
	v62 =	vbroadcast v3, $0x6;
	v4 =	vadd.f32 v58, v4  }
0x63: {  	v63 =	vld [tilespmem:$0x84C0]  }
0x64: {  	v11 =	vbroadcast v3, $0x7;
	v10 =	vmul.f32 v57, v62;
	v4 =	vadd.f32 v61, v4  }
0x65: {  	v12 =	vld [tilespmem:$0x84D0]  }
0x66: {  	v14 =	vbroadcast v3, $0x8;
	v13 =	vmul.f32 v60, v11;
	v4 =	vadd.f32 v10, v4  }
0x67: {  	v15 =	vld [tilespmem:$0x84E0]  }
0x68: {  	v17 =	vbroadcast v3, $0x9;
	v16 =	vmul.f32 v63, v14;
	v4 =	vadd.f32 v13, v4  }
0x69: {  	v18 =	vld [tilespmem:$0x84F0]  }
0x6a: {  	v20 =	vbroadcast v3, $0xA;
	v19 =	vmul.f32 v12, v17;
	v4 =	vadd.f32 v16, v4  }
0x6b: {  	v21 =	vld [tilespmem:$0x8500]  }
0x6c: {  	v23 =	vbroadcast v3, $0xB;
	v22 =	vmul.f32 v15, v20;
	v4 =	vadd.f32 v19, v4  }
0x6d: {  	v24 =	vld [tilespmem:$0x8510]  }
0x6e: {  	v26 =	vbroadcast v3, $0xC;
	v25 =	vmul.f32 v18, v23;
	v4 =	vadd.f32 v22, v4  }
0x6f: {  	v27 =	vld [tilespmem:$0x8520]  }
0x70: {  	v29 =	vbroadcast v3, $0xD;
	v28 =	vmul.f32 v21, v26;
	v4 =	vadd.f32 v25, v4  }
0x71: {  	v30 =	vld [tilespmem:$0x8530]  }
0x72: {  	v32 =	vbroadcast v3, $0xE;
	v31 =	vmul.f32 v24, v29;
	v4 =	vadd.f32 v28, v4  }
0x73: {  	v1 =	vadd.f32 v2, v1;
	v2 =	vld [tilespmem:$0x8540]  }
0x74: {  	v33 =	vmul.f32 v27, v32;
	v3 =	vbroadcast v3, $0xF;
	v4 =	vadd.f32 v31, v4  }
0x75: {  	v34 =	vld [tilespmem:$0x8550]  }
0x76: {  	v35 =	vbroadcast v1, $0x0;
	v3 =	vmul.f32 v30, v3;
	v4 =	vadd.f32 v33, v4  }
0x77: {  	v36 =	vld [tilespmem:$0x8560]  }
0x78: {  	v2 =	vmul.f32 v2, v35;
	v37 =	vbroadcast v1, $0x1;
	v3 =	vadd.f32 v3, v4  }
0x79: {  	v38 =	vld [tilespmem:$0x8570]  }
0x7a: {  	v39 =	vbroadcast v1, $0x2;
	v2 =	vadd.f32 v2, v3;
	v3 =	vmul.f32 v34, v37  }
0x7b: {  	v40 =	vld [tilespmem:$0x8580]  }
0x7c: {  	v41 =	vbroadcast v1, $0x3;
	v2 =	vadd.f32 v3, v2;
	v3 =	vmul.f32 v36, v39  }
0x7d: {  	v42 =	vld [tilespmem:$0x8590]  }
0x7e: {  	v43 =	vbroadcast v1, $0x4;
	v2 =	vadd.f32 v3, v2;
	v3 =	vmul.f32 v38, v41  }
0x7f: {  	v44 =	vld [tilespmem:$0x85A0]  }
0x80: {  	v45 =	vbroadcast v1, $0x5;
	v2 =	vadd.f32 v3, v2;
	v3 =	vmul.f32 v40, v43  }
0x81: {  	v46 =	vld [tilespmem:$0x85B0]  }
0x82: {  	v47 =	vbroadcast v1, $0x6;
	v2 =	vadd.f32 v3, v2;
	v3 =	vmul.f32 v42, v45  }
0x83: {  	v48 =	vld [tilespmem:$0x85C0]  }
0x84: {  	v49 =	vbroadcast v1, $0x7;
	v2 =	vadd.f32 v3, v2;
	v3 =	vmul.f32 v44, v47  }
0x85: {  	v50 =	vld [tilespmem:$0x85D0]  }
0x86: {  	v51 =	vbroadcast v1, $0x8;
	v2 =	vadd.f32 v3, v2;
	v3 =	vmul.f32 v46, v49  }
0x87: {  	v52 =	vld [tilespmem:$0x85E0]  }
0x88: {  	v53 =	vbroadcast v1, $0x9;
	v2 =	vadd.f32 v3, v2;
	v3 =	vmul.f32 v48, v51  }
0x89: {  	v54 =	vld [tilespmem:$0x85F0]  }
0x8a: {  	v55 =	vbroadcast v1, $0xA;
	v2 =	vadd.f32 v3, v2;
	v3 =	vmul.f32 v50, v53  }
0x8b: {  	v56 =	vld [tilespmem:$0x8600]  }
0x8c: {  	v57 =	vbroadcast v1, $0xB;
	v2 =	vadd.f32 v3, v2;
	v3 =	vmul.f32 v52, v55  }
0x8d: {  	v58 =	vld [tilespmem:$0x8610]  }
0x8e: {  	v59 =	vbroadcast v1, $0xC;
	v2 =	vadd.f32 v3, v2;
	v3 =	vmul.f32 v54, v57  }
0x8f: {  	v60 =	vld [tilespmem:$0x8620]  }
0x90: {  	v61 =	vbroadcast v1, $0xD;
	v2 =	vadd.f32 v3, v2;
	v3 =	vmul.f32 v56, v59  }
0x91: {  	v62 =	vld [tilespmem:$0x8630]  }
0x92: {  	v63 =	vbroadcast v1, $0xE;
	v2 =	vadd.f32 v3, v2;
	v3 =	vmul.f32 v58, v61;
	_ =	sdelay $0x1  }
0x93: {  	v1 =	vbroadcast v1, $0xF;
	v2 =	vadd.f32 v3, v2;
	v3 =	vmul.f32 v60, v63;
	_ =	sdelay $0x1  }
0x94: {  	v1 =	vmul.f32 v62, v1;
	v2 =	vadd.f32 v3, v2;
	_ =	sdelay $0x1  }
0x95: {  	v1 =	vadd.f32 v1, v2;
	_ =	sdelay $0x1  }
0x96: {  	[tilespmem:$0x8650] =	vst v1  }
0x97: {  	[hbm4b:s8+s3] =	stream.linear.scatter [tilespmem:s22], [sflag:$0x2], $0x10, $0x38;
	[tilespmem:$0x86A0] =	vst v63  }
0x98: {  	_ =	swait.ge [sflag:s10], $0x10  }
0x99: {  	[sflag:s10] =	ssyncset.done $0x0  }
0x9a: {  	[sflag:s10] =	ssyncadd.s32 $0xFFFFFFF0  }
.LBB2_7:
0x9b: {  	s23 =	sadd.s32 $0x1, s23  }
0x9c: {  	p1 =	sne.s32 s23, s9  }
.Ltmp1:
0x9d: {  	_ = 	snop;
	(pc) =	sbr.rel @!p1 .LBB2_8-.Ltmp1, $1  }
0x9e: {  	_ =	sdelay $0x3  }
.LBB2_1:
0x9f: {  	[tilespmem:s3], [sflag:$0x2] =	stream.linear.gather [hbm4b:s6+s3], $0x200, $0x38;
	[tilespmem:$0x86A0] =	vst v63  }
0xa0: {  	_ =	swait.ge [sflag:s10], $0x200  }
0xa1: {  	[sflag:s10] =	ssyncset.done $0x0  }
0xa2: {  	[sflag:s10] =	ssyncadd.s32 $0xFFFFFE00  }
0xa3: {  	[tilespmem:s12], [sflag:$0x1] =	stream.indirect.gather [hbm4b:s4+s11], $0x40, s3, s11, $0xb8;
	[tilespmem:$0x86A0] =	vst v63  }
0xa4: {  	_ = 	snop  }
0xa5: {  	[tilespmem:s13], [sflag:$0x1] =	stream.indirect.gather [hbm4b:s4+s11], $0x40, s11, s11, $0xb8;
	[tilespmem:$0x86A0] =	vst v63  }
0xa6: {  	_ = 	snop  }
0xa7: {  	[tilespmem:s15], [sflag:$0x1] =	stream.indirect.gather [hbm4b:s4+s11], $0x40, s14, s11, $0xb8;
	[tilespmem:$0x86A0] =	vst v63  }
0xa8: {  	_ = 	snop  }
0xa9: {  	[tilespmem:s17], [sflag:$0x1] =	stream.indirect.gather [hbm4b:s4+s11], $0x40, s16, s11, $0xb8;
	[tilespmem:$0x86A0] =	vst v63  }
0xaa: {  	_ =	swait.ge [sflag:s18], $0x2000  }
0xab: {  	[sflag:s18] =	ssyncset.done $0x0  }
0xac: {  	[sflag:s18] =	ssyncadd.s32 $0xFFFFE000  }
0xad: {  	_ =	swait.ge [sflag:s18], $0x2000  }
0xae: {  	[sflag:s18] =	ssyncset.done $0x0  }
0xaf: {  	[sflag:s18] =	ssyncadd.s32 $0xFFFFE000  }
0xb0: {  	_ =	swait.ge [sflag:s18], $0x2000  }
0xb1: {  	[sflag:s18] =	ssyncset.done $0x0  }
0xb2: {  	[sflag:s18] =	ssyncadd.s32 $0xFFFFE000  }
0xb3: {  	_ =	swait.ge [sflag:s18], $0x2000  }
0xb4: {  	[sflag:s18] =	ssyncset.done $0x0  }
0xb5: {  	s25 =	simm.s32 $0x0;
	[sflag:s18] =	ssyncadd.s32 $0xFFFFE000  }
0xb6: {  	v2 =	vld [tilespmem:s25+$0x230]  }
0xb7: {  	v3 =	vld [tilespmem:s25+$0x200]  }
0xb8: {  	v1 =	vimm.f32 $0.0e+00;
	v4 =	vld [tilespmem:s25+$0x210]  }
0xb9: {  	s24 =	simm.s32 $0x100;
	v6 =	vimm.f32 $0.0e+00;
	v7 =	vimm.f32 $0.0e+00;
	v8 =	vimm.f32 $0.0e+00;
	v5 =	vld [tilespmem:s25+$0x220]  }
.LBB2_2:
0xba: {  	p1 =	sne.s32 s24, $0x1FF00  }
.Ltmp2:
0xbb: {  	s25 =	sshra.s32 s24, $0x2;
	s24 =	sadd.s32 $0x100, s24;
	v1 =	vadd.f32 v2, v1;
	(pc) =	sbr.rel @p1 .LBB2_2-.Ltmp2, $4  }
0xbc: {  	v2 =	vld [tilespmem:s25+$0x230];
	v6 =	vadd.f32 v3, v6  }
0xbd: {  	v3 =	vld [tilespmem:s25+$0x200];
	v7 =	vadd.f32 v4, v7  }
0xbe: {  	v4 =	vld [tilespmem:s25+$0x210];
	v8 =	vadd.f32 v5, v8  }
0xbf: {  	v5 =	vld [tilespmem:s25+$0x220]  }
0xc0: {  	_ = 	snop  }
0xc1: {  	v1 =	vadd.f32 v2, v1  }
0xc2: {  	v3 =	vadd.f32 v3, v6  }
0xc3: {  	v4 =	vadd.f32 v4, v7;
	[tilespmem:$0x8230] =	vst v1  }
0xc4: {  	v5 =	vadd.f32 v5, v8;
	[tilespmem:$0x8200] =	vst v3  }
0xc5: {  	[tilespmem:$0x8210] =	vst v4  }
0xc6: {  	[tilespmem:$0x8220] =	vst v5  }
0xc7: {  	[spmem:s7] =	stream.linear.scatter [tilespmem:s19], [sflag:$0x2], $0x40, $0x38;
	[tilespmem:$0x86A0] =	vst v63  }
.Ltmp3:
0xc8: {  	_ =	swait.ge [sflag:s10], $0x40;
	(pc) =	sbr.rel @p0 .LBB2_7-.Ltmp3, $3  }
0xc9: {  	[sflag:s10] =	ssyncset.done $0x0  }
0xca: {  	[sflag:s10] =	ssyncadd.s32 $0xFFFFFFC0  }
0xcb: {  	[bflag:$0x0] =	sbarrier.arrive $0xFFFF;
	_ =	sdelay $0x1  }
0xcc: {  	[tilespmem:s12], [sflag:$0x2] =	stream.linear.gather [spmem:s2], $0x400, $0x38;
	[tilespmem:$0x86A0] =	vst v63  }
0xcd: {  	_ =	swait.ge [sflag:s10], $0x400  }
0xce: {  	[sflag:s10] =	ssyncset.done $0x0  }
0xcf: {  	s24 =	simm.s32 $0x0;
	[sflag:s10] =	ssyncadd.s32 $0xFFFFFC00  }
0xd0: {  	[tilespmem:s20], [sflag:$0x2] =	stream.linear.gather [hbm4b:s5+s24], $0x400, $0x38;
	[tilespmem:$0x86A0] =	vst v63  }
0xd1: {  	_ =	swait.ge [sflag:s10], $0x400  }
0xd2: {  	[sflag:s10] =	ssyncset.done $0x0  }
0xd3: {  	[sflag:s10] =	ssyncadd.s32 $0xFFFFFC00  }
0xd4: {  	[tilespmem:s21], [sflag:$0x2] =	stream.linear.gather [hbm4b:s1+s24], $0x10, $0x38;
	[tilespmem:$0x86A0] =	vst v63  }
0xd5: {  	_ =	swait.ge [sflag:s10], $0x10  }
0xd6: {  	[sflag:s10] =	ssyncset.done $0x0  }
0xd7: {  	s25 =	simm.s32 $0x0;
	[sflag:s10] =	ssyncadd.s32 $0xFFFFFFF0  }
0xd8: {  	v2 =	vld [tilespmem:s25+$0x230]  }
0xd9: {  	v7 =	vld [tilespmem:s25+$0x200]  }
0xda: {  	v1 =	vimm.f32 $0.0e+00;
	v5 =	vld [tilespmem:s25+$0x210]  }
0xdb: {  	v8 =	vimm.f32 $0.0e+00;
	v6 =	vimm.f32 $0.0e+00;
	v4 =	vimm.f32 $0.0e+00;
	s24 =	simm.s32 $0x100;
	v3 =	vld [tilespmem:s25+$0x220]  }
.LBB2_5:
0xdc: {  	p1 =	sne.s32 s24, $0xF00  }
.Ltmp4:
0xdd: {  	s25 =	sshra.s32 s24, $0x2;
	s24 =	sadd.s32 $0x100, s24;
	v1 =	vadd.f32 v2, v1;
	(pc) =	sbr.rel @p1 .LBB2_5-.Ltmp4, $4  }
0xde: {  	v8 =	vadd.f32 v7, v8;
	v2 =	vld [tilespmem:s25+$0x230]  }
0xdf: {  	v6 =	vadd.f32 v5, v6;
	v7 =	vld [tilespmem:s25+$0x200]  }
0xe0: {  	v4 =	vadd.f32 v3, v4;
	v5 =	vld [tilespmem:s25+$0x210]  }
0xe1: {  	v3 =	vld [tilespmem:s25+$0x220]  }
.Ltmp5:
0xe2: {  	_ = 	snop;
	(pc) =	sbr.rel .LBB2_6-.Ltmp5, $1  }
0xe3: {  	_ =	sdelay $0x3  }
.LBB2_8:
0xe4: {  	_ =	sfence.sel $0x180000  }
0xe5: {  	[bflag:$0x0] =	sbarrier.arrive $0xFFFF  }
0xe6: {  	_ =	strace $0x90000047  }
0xe7: {  	s0 =	sadd.s32 @!p0 $0x100000, s0;
	[bflag:$0x2] =	sbarrier.arrive $0xFFFF  }
0xe8: {  	[sflag:s0] =	ssyncadd.tile.s32 @!p0 $0x1;
	_ =	shalt  }
.Lfunc_end2:
_tile_overlayer_lowered:
.L_overlay_start_2:
0xe9: {  	(tag) =	ssettag $0x2  }
0xea: {  	s0 =	rddreg [dreg:$0x0];
	s2 =	stileid.u32  }
0xeb: {  	s1 =	rddreg [dreg:$0x1];
	p0 =	sne.s32 s2, $0x0  }
0xec: {  	s3 =	rddreg [dreg:$0x2];
	[bflag:$0x3] =	sbarrier.arrive $0xFFFF;
	s2 =	simm.s32 @!p0 $0x1C02  }
0xed: {  	[timem:s3], [sflag:s2] =	dma.local @!p0 [hbm:s0], s1  }
0xee: {  	s0 =	simm.s32 @!p0 $0x2  }
0xef: {  	_ =	swait.ge @!p0 [sflag:s0], s1  }
0xf0: {  	s1 =	ssub.s32 @!p0 $0x0, s1;
	[sflag:s0] =	ssyncset.done @!p0 $0x0  }
0xf1: {  	[sflag:s0] =	ssyncadd.s32 @!p0 s1  }
0xf2: {  	[bflag:$0x3] =	sbarrier.arrive $0xFFFF  }
0xf3: {  	_ =	shalt  }

</sc_bundles>
